<compile_context>
chip_gen: v7x
topology: tpu7x:2x2x1
jax: 0.10.2.dev20260603
libtpu: 0.0.44.dev20260713+nightly
codegen_flags: <defaults>
</compile_context>

<pallas_src>
import functools

import numpy as np
import jax
import jax.numpy as jnp
from jax import lax
from jax.experimental import pallas as pl
from jax.experimental.pallas import tpu as pltpu
from jax.experimental.pallas import tpu_sc as plsc

_NOISE_SCALE = 0.1
_NOISE_MIN = 0.0001
_NOISE_MAX = 0.02
_STEPS = 1000
_TAB_PAD = 1024


def _diffusion_coef_tables():
    start = _NOISE_SCALE * _NOISE_MIN
    end = _NOISE_SCALE * _NOISE_MAX
    variance = np.linspace(start, end, _STEPS, dtype=np.float64)
    alpha_bar = 1.0 - variance
    betas = [1.0 - alpha_bar[0]]
    for i in range(1, _STEPS):
        betas.append(min(1.0 - alpha_bar[i] / alpha_bar[i - 1], 0.999))
    betas = np.array(betas, dtype=np.float64)
    betas[0] = 0.0001
    alphas = 1.0 - betas
    acp = np.cumprod(alphas, axis=0)
    a = np.sqrt(acp)
    b = np.sqrt(1.0 - acp)
    pad = _TAB_PAD - _STEPS
    a = np.pad(a, (0, pad)).astype(np.float32)
    b = np.pad(b, (0, pad)).astype(np.float32)
    return np.concatenate(
        [np.repeat(a[:, None], 16, axis=1),
         np.repeat(b[:, None], 16, axis=1)], axis=1)


_TAB_AB = _diffusion_coef_tables()

_B, _D = 16384, 128
_NC, _NS, _L = 2, 16, 16
_NW = _NC * _NS
_RPW = _B // _NW
_CHUNK = 64
_NCHUNK = _RPW // _CHUNK


def _sc_body(t_hbm, ts_hbm, x_hbm, n_hbm, o_hbm,
             ts_v, ct_v, xb, nb, ob, sg, sx, sn, so):
    wid = lax.axis_index("s") * _NC + lax.axis_index("c")
    base = wid * _RPW

    def start_in(c, s):
        r0 = base + c * _CHUNK
        pltpu.async_copy(x_hbm.at[pl.ds(r0, _CHUNK)], xb.at[s], sx)
        pltpu.async_copy(n_hbm.at[pl.ds(r0, _CHUNK)], nb.at[s], sn)

    def wait_in(c, s):
        r0 = base + c * _CHUNK
        pltpu.make_async_copy(x_hbm.at[pl.ds(r0, _CHUNK)], xb.at[s], sx).wait()
        pltpu.make_async_copy(n_hbm.at[pl.ds(r0, _CHUNK)], nb.at[s], sn).wait()

    def start_out(c, s):
        r0 = base + c * _CHUNK
        pltpu.async_copy(ob.at[s], o_hbm.at[pl.ds(r0, _CHUNK)], so)

    def wait_out(c, s):
        r0 = base + c * _CHUNK
        pltpu.make_async_copy(ob.at[s], o_hbm.at[pl.ds(r0, _CHUNK)], so).wait()

    start_in(0, 0)
    start_in(1, 1)
    n_idx_rows = _RPW // 128
    for j in range(n_idx_rows):
        pltpu.async_copy(ts_hbm.at[pl.ds(base + j * 128, 128)], ts_v.at[j], sg)
    for j in range(n_idx_rows):
        pltpu.make_async_copy(
            ts_hbm.at[pl.ds(base + j * 128, 128)], ts_v.at[j], sg).wait()
    for j in range(n_idx_rows):
        pltpu.async_copy(t_hbm.at[ts_v.at[j]], ct_v.at[pl.ds(j * 128, 128)], sg)
    for j in range(n_idx_rows):
        pltpu.make_async_copy(
            t_hbm.at[ts_v.at[j]], ct_v.at[pl.ds(j * 128, 128)], sg).wait()

    def ring_step(c0, carry):
        for s in range(2):
            c = c0 * 2 + s

            wait_in(c, s)

            @pl.when(c >= 2)
            def _():
                wait_out(c - 2, s)

            def row(r, rcarry):
                tr = c * _CHUNK + r
                ca = ct_v[tr, pl.ds(0, _L)]
                cb = ct_v[tr, pl.ds(_L, _L)]
                for k in range(_D // _L):
                    sl = pl.ds(k * _L, _L)
                    ob[s, r, sl] = ca * xb[s, r, sl] + cb * nb[s, r, sl]
                return rcarry

            lax.fori_loop(0, _CHUNK, row, 0)
            start_out(c, s)

            @pl.when(c + 2 < _NCHUNK)
            def _():
                start_in(c + 2, s)
        return carry

    lax.fori_loop(0, _NCHUNK // 2, ring_step, 0)
    wait_out(_NCHUNK - 2, 0)
    wait_out(_NCHUNK - 1, 1)


@jax.jit
def kernel(x_start, ts, noise):
    mesh = plsc.VectorSubcoreMesh(
        core_axis_name="c", subcore_axis_name="s",
        num_cores=_NC, num_subcores=_NS)
    ker = pl.kernel(
        _sc_body,
        out_type=jax.ShapeDtypeStruct((_B, _D), jnp.float32),
        mesh=mesh,
        scratch_types=[
            pltpu.VMEM((_RPW // 128, 128), jnp.int32),
            pltpu.VMEM((_RPW, 2 * _L), jnp.float32),
            pltpu.VMEM((2, _CHUNK, _D), jnp.float32),
            pltpu.VMEM((2, _CHUNK, _D), jnp.float32),
            pltpu.VMEM((2, _CHUNK, _D), jnp.float32),
            pltpu.SemaphoreType.DMA,
            pltpu.SemaphoreType.DMA,
            pltpu.SemaphoreType.DMA,
            pltpu.SemaphoreType.DMA,
        ],
        compiler_params=pltpu.CompilerParams(use_tc_tiling_on_sc=False),
    )
    return ker(jnp.asarray(_TAB_AB), ts.astype(jnp.int32), x_start, noise)

# --- scband reference (transcript-rebuilt; emitter-appended) ---
"""Pipeline reference for scband-gaussian-diffusion-62577673502784 (READ-ONLY COPY).

The authoritative reference and input builder live on the scoring server;
editing this copy changes nothing except your own understanding.
"""

import jax, jax.numpy as jnp
import numpy as np

NOISE_SCALE = 0.1
NOISE_MIN = 0.0001
NOISE_MAX = 0.02
STEPS = 1000

def _diffusion_tables():
    start = NOISE_SCALE * NOISE_MIN
    end = NOISE_SCALE * NOISE_MAX
    variance = np.linspace(start, end, STEPS, dtype=np.float64)
    alpha_bar = 1.0 - variance
    betas = [1.0 - alpha_bar[0]]
    for i in range(1, STEPS):
        betas.append(min(1.0 - alpha_bar[i] / alpha_bar[i - 1], 0.999))
    betas = np.array(betas, dtype=np.float64)
    # beta_fixed=True
    betas[0] = 0.0001
    alphas = 1.0 - betas
    alphas_cumprod = np.cumprod(alphas, axis=0)
    sqrt_alphas_cumprod = np.sqrt(alphas_cumprod)
    sqrt_one_minus_alphas_cumprod = np.sqrt(1.0 - alphas_cumprod)
    return (jnp.asarray(sqrt_alphas_cumprod, dtype=jnp.float32),
            jnp.asarray(sqrt_one_minus_alphas_cumprod, dtype=jnp.float32))

_SQRT_ACP, _SQRT_1M_ACP = _diffusion_tables()

def setup_inputs(seed: int = 0) -> dict:
    key = jax.random.key(seed)
    k1, k2, k3 = jax.random.split(key, 3)
    B, D = 16384, 128
    x_start = jax.random.normal(k1, (B, D), dtype=jnp.float32)
    ts = jax.random.randint(k2, (B,), 0, STEPS, dtype=jnp.int64 if jax.config.jax_enable_x64 else jnp.int32)
    noise = jax.random.normal(k3, (B, D), dtype=jnp.float32)
    return {"x_start": x_start, "ts": ts, "noise": noise}

def reference(x_start, ts, noise):
    # q_sample: gather per-timestep scalar coefficients and broadcast over features
    coef_a = jnp.take(_SQRT_ACP, ts, axis=0)[:, None]
    coef_b = jnp.take(_SQRT_1M_ACP, ts, axis=0)[:, None]
    return coef_a * x_start + coef_b * noise

if __name__ == "__main__":
    import jax
    _d = setup_inputs()
    print(jax.jit(kernel)(*tuple(_d.values())))

</pallas_src>

<mosaic_0001>
#map = affine_map<(d0, d1) -> (0, 0)>
#map1 = affine_map<(d0, d1) -> (0)>
module attributes {stable_mosaic.version = 14 : i64} {
  func.func @_sc_body(%arg0: i32, %arg1: i32, %arg2: memref<1024x32xf32, #tpu.memory_space<hbm>>, %arg3: memref<16384xi32, #tpu.memory_space<hbm>>, %arg4: memref<16384x128xf32, #tpu.memory_space<hbm>>, %arg5: memref<16384x128xf32, #tpu.memory_space<hbm>>, %arg6: memref<16384x128xf32, #tpu.memory_space<hbm>>, %arg7: memref<4x128xi32, #tpu.memory_space<vmem>>, %arg8: memref<512x32xf32, #tpu.memory_space<vmem>>, %arg9: memref<2x64x128xf32, #tpu.memory_space<vmem>>, %arg10: memref<2x64x128xf32, #tpu.memory_space<vmem>>, %arg11: memref<2x64x128xf32, #tpu.memory_space<vmem>>, %arg12: memref<!tpu.dma_semaphore, #tpu.memory_space<semaphore_mem>>, %arg13: memref<!tpu.dma_semaphore, #tpu.memory_space<semaphore_mem>>, %arg14: memref<!tpu.dma_semaphore, #tpu.memory_space<semaphore_mem>>, %arg15: memref<!tpu.dma_semaphore, #tpu.memory_space<semaphore_mem>>) attributes {dimension_semantics = [#tpu.dimension_semantics<core_parallel>, #tpu.dimension_semantics<subcore_parallel>], iteration_bounds = array<i64: 2, 16>, scalar_prefetch = 0 : i64, scratch_operands = 9 : i64, tpu.core_type = #tpu.core_type<sc_vector_subcore>, window_params = [{transform_indices = #map}, {transform_indices = #map1}, {transform_indices = #map}, {transform_indices = #map}, {transform_indices = #map}]} {
    %mul3A = arith.constant 2 : i32
    %mul3A_0 = arith.muli %arg1, %mul3A : i32
    %add3A = arith.addi %mul3A_0, %arg0 : i32
    %mul3A_1 = arith.constant 512 : i32
    %mul3A_2 = arith.muli %add3A, %mul3A_1 : i32
    %add3A_3 = arith.constant 0 : i32
    %add3A_4 = arith.addi %mul3A_2, %add3A_3 : i32
    %dma_start3A = arith.constant 0 : i32
    %dma_start3A_5 = arith.constant 0 : i32
    %dma_start3A_6 = arith.constant 0 : i32
    %dma_start3A_7 = tpu.memref_slice %arg9[%dma_start3A, %dma_start3A_5, %dma_start3A_6] : memref<2x64x128xf32, #tpu.memory_space<vmem>> -> memref<1x64x128xf32, #tpu.memory_space<vmem>>
    %dma_start3A_8 = tpu.memref_squeeze %dma_start3A_7 : memref<1x64x128xf32, #tpu.memory_space<vmem>> -> memref<64x128xf32, #tpu.memory_space<vmem>>
    %dma_start3A_9 = arith.constant 0 : i32
    %dma_start3A_10 = tpu.memref_slice %arg4[%add3A_4, %dma_start3A_9] : memref<16384x128xf32, #tpu.memory_space<hbm>> -> memref<64x128xf32, #tpu.memory_space<hbm>>
    %dma_start3A_11 = arith.constant 0 : i32
    %dma_start3A_12 = arith.constant 0 : i32
    %dma_start3A_13 = tpu.memref_slice %arg9[%dma_start3A, %dma_start3A_11, %dma_start3A_12] : memref<2x64x128xf32, #tpu.memory_space<vmem>> -> memref<1x64x128xf32, #tpu.memory_space<vmem>>
    %dma_start3A_14 = tpu.memref_squeeze %dma_start3A_13 : memref<1x64x128xf32, #tpu.memory_space<vmem>> -> memref<64x128xf32, #tpu.memory_space<vmem>>
    %dma_start3A_15 = arith.constant 0 : i32
    %dma_start3A_16 = tpu.memref_slice %arg4[%add3A_4, %dma_start3A_15] : memref<16384x128xf32, #tpu.memory_space<hbm>> -> memref<64x128xf32, #tpu.memory_space<hbm>>
    tpu.enqueue_dma source(%dma_start3A_16 : memref<64x128xf32, #tpu.memory_space<hbm>>) target(%dma_start3A_14 : memref<64x128xf32, #tpu.memory_space<vmem>>) target_semaphore(%arg13 : memref<!tpu.dma_semaphore, #tpu.memory_space<semaphore_mem>>)
    %dma_start3A_17 = arith.constant 0 : i32
    %dma_start3A_18 = arith.constant 0 : i32
    %dma_start3A_19 = arith.constant 0 : i32
    %dma_start3A_20 = tpu.memref_slice %arg10[%dma_start3A_17, %dma_start3A_18, %dma_start3A_19] : memref<2x64x128xf32, #tpu.memory_space<vmem>> -> memref<1x64x128xf32, #tpu.memory_space<vmem>>
    %dma_start3A_21 = tpu.memref_squeeze %dma_start3A_20 : memref<1x64x128xf32, #tpu.memory_space<vmem>> -> memref<64x128xf32, #tpu.memory_space<vmem>>
    %dma_start3A_22 = arith.constant 0 : i32
    %dma_start3A_23 = tpu.memref_slice %arg5[%add3A_4, %dma_start3A_22] : memref<16384x128xf32, #tpu.memory_space<hbm>> -> memref<64x128xf32, #tpu.memory_space<hbm>>
    %dma_start3A_24 = arith.constant 0 : i32
    %dma_start3A_25 = arith.constant 0 : i32
    %dma_start3A_26 = tpu.memref_slice %arg10[%dma_start3A_17, %dma_start3A_24, %dma_start3A_25] : memref<2x64x128xf32, #tpu.memory_space<vmem>> -> memref<1x64x128xf32, #tpu.memory_space<vmem>>
    %dma_start3A_27 = tpu.memref_squeeze %dma_start3A_26 : memref<1x64x128xf32, #tpu.memory_space<vmem>> -> memref<64x128xf32, #tpu.memory_space<vmem>>
    %dma_start3A_28 = arith.constant 0 : i32
    %dma_start3A_29 = tpu.memref_slice %arg5[%add3A_4, %dma_start3A_28] : memref<16384x128xf32, #tpu.memory_space<hbm>> -> memref<64x128xf32, #tpu.memory_space<hbm>>
    tpu.enqueue_dma source(%dma_start3A_29 : memref<64x128xf32, #tpu.memory_space<hbm>>) target(%dma_start3A_27 : memref<64x128xf32, #tpu.memory_space<vmem>>) target_semaphore(%arg14 : memref<!tpu.dma_semaphore, #tpu.memory_space<semaphore_mem>>)
    %add3A_30 = arith.constant 64 : i32
    %add3A_31 = arith.addi %mul3A_2, %add3A_30 : i32
    %dma_start3A_32 = arith.constant 1 : i32
    %dma_start3A_33 = arith.constant 0 : i32
    %dma_start3A_34 = arith.constant 0 : i32
    %dma_start3A_35 = tpu.memref_slice %arg9[%dma_start3A_32, %dma_start3A_33, %dma_start3A_34] : memref<2x64x128xf32, #tpu.memory_space<vmem>> -> memref<1x64x128xf32, #tpu.memory_space<vmem>>
    %dma_start3A_36 = tpu.memref_squeeze %dma_start3A_35 : memref<1x64x128xf32, #tpu.memory_space<vmem>> -> memref<64x128xf32, #tpu.memory_space<vmem>>
    %dma_start3A_37 = arith.constant 0 : i32
    %dma_start3A_38 = tpu.memref_slice %arg4[%add3A_31, %dma_start3A_37] : memref<16384x128xf32, #tpu.memory_space<hbm>> -> memref<64x128xf32, #tpu.memory_space<hbm>>
    %dma_start3A_39 = arith.constant 0 : i32
    %dma_start3A_40 = arith.constant 0 : i32
    %dma_start3A_41 = tpu.memref_slice %arg9[%dma_start3A_32, %dma_start3A_39, %dma_start3A_40] : memref<2x64x128xf32, #tpu.memory_space<vmem>> -> memref<1x64x128xf32, #tpu.memory_space<vmem>>
    %dma_start3A_42 = tpu.memref_squeeze %dma_start3A_41 : memref<1x64x128xf32, #tpu.memory_space<vmem>> -> memref<64x128xf32, #tpu.memory_space<vmem>>
    %dma_start3A_43 = arith.constant 0 : i32
    %dma_start3A_44 = tpu.memref_slice %arg4[%add3A_31, %dma_start3A_43] : memref<16384x128xf32, #tpu.memory_space<hbm>> -> memref<64x128xf32, #tpu.memory_space<hbm>>
    tpu.enqueue_dma source(%dma_start3A_44 : memref<64x128xf32, #tpu.memory_space<hbm>>) target(%dma_start3A_42 : memref<64x128xf32, #tpu.memory_space<vmem>>) target_semaphore(%arg13 : memref<!tpu.dma_semaphore, #tpu.memory_space<semaphore_mem>>)
    %dma_start3A_45 = arith.constant 1 : i32
    %dma_start3A_46 = arith.constant 0 : i32
    %dma_start3A_47 = arith.constant 0 : i32
    %dma_start3A_48 = tpu.memref_slice %arg10[%dma_start3A_45, %dma_start3A_46, %dma_start3A_47] : memref<2x64x128xf32, #tpu.memory_space<vmem>> -> memref<1x64x128xf32, #tpu.memory_space<vmem>>
    %dma_start3A_49 = tpu.memref_squeeze %dma_start3A_48 : memref<1x64x128xf32, #tpu.memory_space<vmem>> -> memref<64x128xf32, #tpu.memory_space<vmem>>
    %dma_start3A_50 = arith.constant 0 : i32
    %dma_start3A_51 = tpu.memref_slice %arg5[%add3A_31, %dma_start3A_50] : memref<16384x128xf32, #tpu.memory_space<hbm>> -> memref<64x128xf32, #tpu.memory_space<hbm>>
    %dma_start3A_52 = arith.constant 0 : i32
    %dma_start3A_53 = arith.constant 0 : i32
    %dma_start3A_54 = tpu.memref_slice %arg10[%dma_start3A_45, %dma_start3A_52, %dma_start3A_53] : memref<2x64x128xf32, #tpu.memory_space<vmem>> -> memref<1x64x128xf32, #tpu.memory_space<vmem>>
    %dma_start3A_55 = tpu.memref_squeeze %dma_start3A_54 : memref<1x64x128xf32, #tpu.memory_space<vmem>> -> memref<64x128xf32, #tpu.memory_space<vmem>>
    %dma_start3A_56 = arith.constant 0 : i32
    %dma_start3A_57 = tpu.memref_slice %arg5[%add3A_31, %dma_start3A_56] : memref<16384x128xf32, #tpu.memory_space<hbm>> -> memref<64x128xf32, #tpu.memory_space<hbm>>
    tpu.enqueue_dma source(%dma_start3A_57 : memref<64x128xf32, #tpu.memory_space<hbm>>) target(%dma_start3A_55 : memref<64x128xf32, #tpu.memory_space<vmem>>) target_semaphore(%arg14 : memref<!tpu.dma_semaphore, #tpu.memory_space<semaphore_mem>>)
    %add3A_58 = arith.constant 0 : i32
    %add3A_59 = arith.addi %mul3A_2, %add3A_58 : i32
    %dma_start3A_60 = arith.constant 0 : i32
    %dma_start3A_61 = arith.constant 0 : i32
    %dma_start3A_62 = tpu.memref_slice %arg7[%dma_start3A_60, %dma_start3A_61] : memref<4x128xi32, #tpu.memory_space<vmem>> -> memref<1x128xi32, #tpu.memory_space<vmem>>
    %dma_start3A_63 = tpu.memref_squeeze %dma_start3A_62 : memref<1x128xi32, #tpu.memory_space<vmem>> -> memref<128xi32, #tpu.memory_space<vmem>>
    %dma_start3A_64 = tpu.memref_slice %arg3[%add3A_59] : memref<16384xi32, #tpu.memory_space<hbm>> -> memref<128xi32, #tpu.memory_space<hbm>>
    %dma_start3A_65 = arith.constant 0 : i32
    %dma_start3A_66 = tpu.memref_slice %arg7[%dma_start3A_60, %dma_start3A_65] : memref<4x128xi32, #tpu.memory_space<vmem>> -> memref<1x128xi32, #tpu.memory_space<vmem>>
    %dma_start3A_67 = tpu.memref_squeeze %dma_start3A_66 : memref<1x128xi32, #tpu.memory_space<vmem>> -> memref<128xi32, #tpu.memory_space<vmem>>
    %dma_start3A_68 = tpu.memref_slice %arg3[%add3A_59] : memref<16384xi32, #tpu.memory_space<hbm>> -> memref<128xi32, #tpu.memory_space<hbm>>
    tpu.enqueue_dma source(%dma_start3A_68 : memref<128xi32, #tpu.memory_space<hbm>>) target(%dma_start3A_67 : memref<128xi32, #tpu.memory_space<vmem>>) target_semaphore(%arg12 : memref<!tpu.dma_semaphore, #tpu.memory_space<semaphore_mem>>)
    %add3A_69 = arith.constant 128 : i32
    %add3A_70 = arith.addi %mul3A_2, %add3A_69 : i32
    %dma_start3A_71 = arith.constant 1 : i32
    %dma_start3A_72 = arith.constant 0 : i32
    %dma_start3A_73 = tpu.memref_slice %arg7[%dma_start3A_71, %dma_start3A_72] : memref<4x128xi32, #tpu.memory_space<vmem>> -> memref<1x128xi32, #tpu.memory_space<vmem>>
    %dma_start3A_74 = tpu.memref_squeeze %dma_start3A_73 : memref<1x128xi32, #tpu.memory_space<vmem>> -> memref<128xi32, #tpu.memory_space<vmem>>
    %dma_start3A_75 = tpu.memref_slice %arg3[%add3A_70] : memref<16384xi32, #tpu.memory_space<hbm>> -> memref<128xi32, #tpu.memory_space<hbm>>
    %dma_start3A_76 = arith.constant 0 : i32
    %dma_start3A_77 = tpu.memref_slice %arg7[%dma_start3A_71, %dma_start3A_76] : memref<4x128xi32, #tpu.memory_space<vmem>> -> memref<1x128xi32, #tpu.memory_space<vmem>>
    %dma_start3A_78 = tpu.memref_squeeze %dma_start3A_77 : memref<1x128xi32, #tpu.memory_space<vmem>> -> memref<128xi32, #tpu.memory_space<vmem>>
    %dma_start3A_79 = tpu.memref_slice %arg3[%add3A_70] : memref<16384xi32, #tpu.memory_space<hbm>> -> memref<128xi32, #tpu.memory_space<hbm>>
    tpu.enqueue_dma source(%dma_start3A_79 : memref<128xi32, #tpu.memory_space<hbm>>) target(%dma_start3A_78 : memref<128xi32, #tpu.memory_space<vmem>>) target_semaphore(%arg12 : memref<!tpu.dma_semaphore, #tpu.memory_space<semaphore_mem>>)
    %add3A_80 = arith.constant 256 : i32
    %add3A_81 = arith.addi %mul3A_2, %add3A_80 : i32
    %dma_start3A_82 = arith.constant 2 : i32
    %dma_start3A_83 = arith.constant 0 : i32
    %dma_start3A_84 = tpu.memref_slice %arg7[%dma_start3A_82, %dma_start3A_83] : memref<4x128xi32, #tpu.memory_space<vmem>> -> memref<1x128xi32, #tpu.memory_space<vmem>>
    %dma_start3A_85 = tpu.memref_squeeze %dma_start3A_84 : memref<1x128xi32, #tpu.memory_space<vmem>> -> memref<128xi32, #tpu.memory_space<vmem>>
    %dma_start3A_86 = tpu.memref_slice %arg3[%add3A_81] : memref<16384xi32, #tpu.memory_space<hbm>> -> memref<128xi32, #tpu.memory_space<hbm>>
    %dma_start3A_87 = arith.constant 0 : i32
    %dma_start3A_88 = tpu.memref_slice %arg7[%dma_start3A_82, %dma_start3A_87] : memref<4x128xi32, #tpu.memory_space<vmem>> -> memref<1x128xi32, #tpu.memory_space<vmem>>
    %dma_start3A_89 = tpu.memref_squeeze %dma_start3A_88 : memref<1x128xi32, #tpu.memory_space<vmem>> -> memref<128xi32, #tpu.memory_space<vmem>>
    %dma_start3A_90 = tpu.memref_slice %arg3[%add3A_81] : memref<16384xi32, #tpu.memory_space<hbm>> -> memref<128xi32, #tpu.memory_space<hbm>>
    tpu.enqueue_dma source(%dma_start3A_90 : memref<128xi32, #tpu.memory_space<hbm>>) target(%dma_start3A_89 : memref<128xi32, #tpu.memory_space<vmem>>) target_semaphore(%arg12 : memref<!tpu.dma_semaphore, #tpu.memory_space<semaphore_mem>>)
    %add3A_91 = arith.constant 384 : i32
    %add3A_92 = arith.addi %mul3A_2, %add3A_91 : i32
    %dma_start3A_93 = arith.constant 3 : i32
    %dma_start3A_94 = arith.constant 0 : i32
    %dma_start3A_95 = tpu.memref_slice %arg7[%dma_start3A_93, %dma_start3A_94] : memref<4x128xi32, #tpu.memory_space<vmem>> -> memref<1x128xi32, #tpu.memory_space<vmem>>
    %dma_start3A_96 = tpu.memref_squeeze %dma_start3A_95 : memref<1x128xi32, #tpu.memory_space<vmem>> -> memref<128xi32, #tpu.memory_space<vmem>>
    %dma_start3A_97 = tpu.memref_slice %arg3[%add3A_92] : memref<16384xi32, #tpu.memory_space<hbm>> -> memref<128xi32, #tpu.memory_space<hbm>>
    %dma_start3A_98 = arith.constant 0 : i32
    %dma_start3A_99 = tpu.memref_slice %arg7[%dma_start3A_93, %dma_start3A_98] : memref<4x128xi32, #tpu.memory_space<vmem>> -> memref<1x128xi32, #tpu.memory_space<vmem>>
    %dma_start3A_100 = tpu.memref_squeeze %dma_start3A_99 : memref<1x128xi32, #tpu.memory_space<vmem>> -> memref<128xi32, #tpu.memory_space<vmem>>
    %dma_start3A_101 = tpu.memref_slice %arg3[%add3A_92] : memref<16384xi32, #tpu.memory_space<hbm>> -> memref<128xi32, #tpu.memory_space<hbm>>
    tpu.enqueue_dma source(%dma_start3A_101 : memref<128xi32, #tpu.memory_space<hbm>>) target(%dma_start3A_100 : memref<128xi32, #tpu.memory_space<vmem>>) target_semaphore(%arg12 : memref<!tpu.dma_semaphore, #tpu.memory_space<semaphore_mem>>)
    %add3A_102 = arith.constant 0 : i32
    %add3A_103 = arith.addi %mul3A_2, %add3A_102 : i32
    %dma_wait3A = arith.constant 0 : i32
    %dma_wait3A_104 = arith.constant 0 : i32
    %dma_wait3A_105 = tpu.memref_slice %arg7[%dma_wait3A, %dma_wait3A_104] : memref<4x128xi32, #tpu.memory_space<vmem>> -> memref<1x128xi32, #tpu.memory_space<vmem>>
    %dma_wait3A_106 = tpu.memref_squeeze %dma_wait3A_105 : memref<1x128xi32, #tpu.memory_space<vmem>> -> memref<128xi32, #tpu.memory_space<vmem>>
    %dma_wait3A_107 = tpu.memref_slice %arg3[%add3A_103] : memref<16384xi32, #tpu.memory_space<hbm>> -> memref<128xi32, #tpu.memory_space<hbm>>
    %dma_wait3A_108 = arith.constant 0 : i32
    %dma_wait3A_109 = tpu.memref_slice %arg7[%dma_wait3A, %dma_wait3A_108] : memref<4x128xi32, #tpu.memory_space<vmem>> -> memref<1x128xi32, #tpu.memory_space<vmem>>
    %dma_wait3A_110 = tpu.memref_squeeze %dma_wait3A_109 : memref<1x128xi32, #tpu.memory_space<vmem>> -> memref<128xi32, #tpu.memory_space<vmem>>
    %dma_wait3A_111 = tpu.memref_slice %arg3[%add3A_103] : memref<16384xi32, #tpu.memory_space<hbm>> -> memref<128xi32, #tpu.memory_space<hbm>>
    tpu.wait_dma2 semaphore(%arg12 : memref<!tpu.dma_semaphore, #tpu.memory_space<semaphore_mem>>) src(%dma_wait3A_111 : memref<128xi32, #tpu.memory_space<hbm>>) dst(%dma_wait3A_110 : memref<128xi32, #tpu.memory_space<vmem>>)
    %add3A_112 = arith.constant 128 : i32
    %add3A_113 = arith.addi %mul3A_2, %add3A_112 : i32
    %dma_wait3A_114 = arith.constant 1 : i32
    %dma_wait3A_115 = arith.constant 0 : i32
    %dma_wait3A_116 = tpu.memref_slice %arg7[%dma_wait3A_114, %dma_wait3A_115] : memref<4x128xi32, #tpu.memory_space<vmem>> -> memref<1x128xi32, #tpu.memory_space<vmem>>
    %dma_wait3A_117 = tpu.memref_squeeze %dma_wait3A_116 : memref<1x128xi32, #tpu.memory_space<vmem>> -> memref<128xi32, #tpu.memory_space<vmem>>
    %dma_wait3A_118 = tpu.memref_slice %arg3[%add3A_113] : memref<16384xi32, #tpu.memory_space<hbm>> -> memref<128xi32, #tpu.memory_space<hbm>>
    %dma_wait3A_119 = arith.constant 0 : i32
    %dma_wait3A_120 = tpu.memref_slice %arg7[%dma_wait3A_114, %dma_wait3A_119] : memref<4x128xi32, #tpu.memory_space<vmem>> -> memref<1x128xi32, #tpu.memory_space<vmem>>
    %dma_wait3A_121 = tpu.memref_squeeze %dma_wait3A_120 : memref<1x128xi32, #tpu.memory_space<vmem>> -> memref<128xi32, #tpu.memory_space<vmem>>
    %dma_wait3A_122 = tpu.memref_slice %arg3[%add3A_113] : memref<16384xi32, #tpu.memory_space<hbm>> -> memref<128xi32, #tpu.memory_space<hbm>>
    tpu.wait_dma2 semaphore(%arg12 : memref<!tpu.dma_semaphore, #tpu.memory_space<semaphore_mem>>) src(%dma_wait3A_122 : memref<128xi32, #tpu.memory_space<hbm>>) dst(%dma_wait3A_121 : memref<128xi32, #tpu.memory_space<vmem>>)
    %add3A_123 = arith.constant 256 : i32
    %add3A_124 = arith.addi %mul3A_2, %add3A_123 : i32
    %dma_wait3A_125 = arith.constant 2 : i32
    %dma_wait3A_126 = arith.constant 0 : i32
    %dma_wait3A_127 = tpu.memref_slice %arg7[%dma_wait3A_125, %dma_wait3A_126] : memref<4x128xi32, #tpu.memory_space<vmem>> -> memref<1x128xi32, #tpu.memory_space<vmem>>
    %dma_wait3A_128 = tpu.memref_squeeze %dma_wait3A_127 : memref<1x128xi32, #tpu.memory_space<vmem>> -> memref<128xi32, #tpu.memory_space<vmem>>
    %dma_wait3A_129 = tpu.memref_slice %arg3[%add3A_124] : memref<16384xi32, #tpu.memory_space<hbm>> -> memref<128xi32, #tpu.memory_space<hbm>>
    %dma_wait3A_130 = arith.constant 0 : i32
    %dma_wait3A_131 = tpu.memref_slice %arg7[%dma_wait3A_125, %dma_wait3A_130] : memref<4x128xi32, #tpu.memory_space<vmem>> -> memref<1x128xi32, #tpu.memory_space<vmem>>
    %dma_wait3A_132 = tpu.memref_squeeze %dma_wait3A_131 : memref<1x128xi32, #tpu.memory_space<vmem>> -> memref<128xi32, #tpu.memory_space<vmem>>
    %dma_wait3A_133 = tpu.memref_slice %arg3[%add3A_124] : memref<16384xi32, #tpu.memory_space<hbm>> -> memref<128xi32, #tpu.memory_space<hbm>>
    tpu.wait_dma2 semaphore(%arg12 : memref<!tpu.dma_semaphore, #tpu.memory_space<semaphore_mem>>) src(%dma_wait3A_133 : memref<128xi32, #tpu.memory_space<hbm>>) dst(%dma_wait3A_132 : memref<128xi32, #tpu.memory_space<vmem>>)
    %add3A_134 = arith.constant 384 : i32
    %add3A_135 = arith.addi %mul3A_2, %add3A_134 : i32
    %dma_wait3A_136 = arith.constant 3 : i32
    %dma_wait3A_137 = arith.constant 0 : i32
    %dma_wait3A_138 = tpu.memref_slice %arg7[%dma_wait3A_136, %dma_wait3A_137] : memref<4x128xi32, #tpu.memory_space<vmem>> -> memref<1x128xi32, #tpu.memory_space<vmem>>
    %dma_wait3A_139 = tpu.memref_squeeze %dma_wait3A_138 : memref<1x128xi32, #tpu.memory_space<vmem>> -> memref<128xi32, #tpu.memory_space<vmem>>
    %dma_wait3A_140 = tpu.memref_slice %arg3[%add3A_135] : memref<16384xi32, #tpu.memory_space<hbm>> -> memref<128xi32, #tpu.memory_space<hbm>>
    %dma_wait3A_141 = arith.constant 0 : i32
    %dma_wait3A_142 = tpu.memref_slice %arg7[%dma_wait3A_136, %dma_wait3A_141] : memref<4x128xi32, #tpu.memory_space<vmem>> -> memref<1x128xi32, #tpu.memory_space<vmem>>
    %dma_wait3A_143 = tpu.memref_squeeze %dma_wait3A_142 : memref<1x128xi32, #tpu.memory_space<vmem>> -> memref<128xi32, #tpu.memory_space<vmem>>
    %dma_wait3A_144 = tpu.memref_slice %arg3[%add3A_135] : memref<16384xi32, #tpu.memory_space<hbm>> -> memref<128xi32, #tpu.memory_space<hbm>>
    tpu.wait_dma2 semaphore(%arg12 : memref<!tpu.dma_semaphore, #tpu.memory_space<semaphore_mem>>) src(%dma_wait3A_144 : memref<128xi32, #tpu.memory_space<hbm>>) dst(%dma_wait3A_143 : memref<128xi32, #tpu.memory_space<vmem>>)
    %dma_start3A_145 = arith.constant 0 : i32
    %dma_start3A_146 = arith.constant 0 : i32
    %dma_start3A_147 = arith.constant 0 : i32
    %dma_start3A_148 = tpu.memref_slice %arg8[%dma_start3A_146, %dma_start3A_147] : memref<512x32xf32, #tpu.memory_space<vmem>> -> memref<128x32xf32, #tpu.memory_space<vmem>>
    %dma_start3A_149 = arith.constant 0 : i32
    %dma_start3A_150 = tpu.memref_slice %arg7[%dma_start3A_145, %dma_start3A_149] : memref<4x128xi32, #tpu.memory_space<vmem>> -> memref<1x128xi32, #tpu.memory_space<vmem>>
    %dma_start3A_151 = tpu.memref_squeeze %dma_start3A_150 : memref<1x128xi32, #tpu.memory_space<vmem>> -> memref<128xi32, #tpu.memory_space<vmem>>
    %dma_start3A_152 = arith.constant 0 : i32
    %dma_start3A_153 = arith.constant 0 : i32
    %dma_start3A_154 = tpu.memref_slice %arg2[%dma_start3A_152, %dma_start3A_153] : memref<1024x32xf32, #tpu.memory_space<hbm>> -> memref<1024x32xf32, #tpu.memory_space<hbm>>
    tpu.enqueue_indirect_dma source(%dma_start3A_154 : memref<1024x32xf32, #tpu.memory_space<hbm>>) target(%dma_start3A_148 : memref<128x32xf32, #tpu.memory_space<vmem>>) offsets(%dma_start3A_151 : memref<128xi32, #tpu.memory_space<vmem>>) semaphore(%arg12 : memref<!tpu.dma_semaphore, #tpu.memory_space<semaphore_mem>>)
    %dma_start3A_155 = arith.constant 1 : i32
    %dma_start3A_156 = arith.constant 128 : i32
    %dma_start3A_157 = arith.constant 0 : i32
    %dma_start3A_158 = tpu.memref_slice %arg8[%dma_start3A_156, %dma_start3A_157] : memref<512x32xf32, #tpu.memory_space<vmem>> -> memref<128x32xf32, #tpu.memory_space<vmem>>
    %dma_start3A_159 = arith.constant 0 : i32
    %dma_start3A_160 = tpu.memref_slice %arg7[%dma_start3A_155, %dma_start3A_159] : memref<4x128xi32, #tpu.memory_space<vmem>> -> memref<1x128xi32, #tpu.memory_space<vmem>>
    %dma_start3A_161 = tpu.memref_squeeze %dma_start3A_160 : memref<1x128xi32, #tpu.memory_space<vmem>> -> memref<128xi32, #tpu.memory_space<vmem>>
    %dma_start3A_162 = arith.constant 0 : i32
    %dma_start3A_163 = arith.constant 0 : i32
    %dma_start3A_164 = tpu.memref_slice %arg2[%dma_start3A_162, %dma_start3A_163] : memref<1024x32xf32, #tpu.memory_space<hbm>> -> memref<1024x32xf32, #tpu.memory_space<hbm>>
    tpu.enqueue_indirect_dma source(%dma_start3A_164 : memref<1024x32xf32, #tpu.memory_space<hbm>>) target(%dma_start3A_158 : memref<128x32xf32, #tpu.memory_space<vmem>>) offsets(%dma_start3A_161 : memref<128xi32, #tpu.memory_space<vmem>>) semaphore(%arg12 : memref<!tpu.dma_semaphore, #tpu.memory_space<semaphore_mem>>)
    %dma_start3A_165 = arith.constant 2 : i32
    %dma_start3A_166 = arith.constant 256 : i32
    %dma_start3A_167 = arith.constant 0 : i32
    %dma_start3A_168 = tpu.memref_slice %arg8[%dma_start3A_166, %dma_start3A_167] : memref<512x32xf32, #tpu.memory_space<vmem>> -> memref<128x32xf32, #tpu.memory_space<vmem>>
    %dma_start3A_169 = arith.constant 0 : i32
    %dma_start3A_170 = tpu.memref_slice %arg7[%dma_start3A_165, %dma_start3A_169] : memref<4x128xi32, #tpu.memory_space<vmem>> -> memref<1x128xi32, #tpu.memory_space<vmem>>
    %dma_start3A_171 = tpu.memref_squeeze %dma_start3A_170 : memref<1x128xi32, #tpu.memory_space<vmem>> -> memref<128xi32, #tpu.memory_space<vmem>>
    %dma_start3A_172 = arith.constant 0 : i32
    %dma_start3A_173 = arith.constant 0 : i32
    %dma_start3A_174 = tpu.memref_slice %arg2[%dma_start3A_172, %dma_start3A_173] : memref<1024x32xf32, #tpu.memory_space<hbm>> -> memref<1024x32xf32, #tpu.memory_space<hbm>>
    tpu.enqueue_indirect_dma source(%dma_start3A_174 : memref<1024x32xf32, #tpu.memory_space<hbm>>) target(%dma_start3A_168 : memref<128x32xf32, #tpu.memory_space<vmem>>) offsets(%dma_start3A_171 : memref<128xi32, #tpu.memory_space<vmem>>) semaphore(%arg12 : memref<!tpu.dma_semaphore, #tpu.memory_space<semaphore_mem>>)
    %dma_start3A_175 = arith.constant 3 : i32
    %dma_start3A_176 = arith.constant 384 : i32
    %dma_start3A_177 = arith.constant 0 : i32
    %dma_start3A_178 = tpu.memref_slice %arg8[%dma_start3A_176, %dma_start3A_177] : memref<512x32xf32, #tpu.memory_space<vmem>> -> memref<128x32xf32, #tpu.memory_space<vmem>>
    %dma_start3A_179 = arith.constant 0 : i32
    %dma_start3A_180 = tpu.memref_slice %arg7[%dma_start3A_175, %dma_start3A_179] : memref<4x128xi32, #tpu.memory_space<vmem>> -> memref<1x128xi32, #tpu.memory_space<vmem>>
    %dma_start3A_181 = tpu.memref_squeeze %dma_start3A_180 : memref<1x128xi32, #tpu.memory_space<vmem>> -> memref<128xi32, #tpu.memory_space<vmem>>
    %dma_start3A_182 = arith.constant 0 : i32
    %dma_start3A_183 = arith.constant 0 : i32
    %dma_start3A_184 = tpu.memref_slice %arg2[%dma_start3A_182, %dma_start3A_183] : memref<1024x32xf32, #tpu.memory_space<hbm>> -> memref<1024x32xf32, #tpu.memory_space<hbm>>
    tpu.enqueue_indirect_dma source(%dma_start3A_184 : memref<1024x32xf32, #tpu.memory_space<hbm>>) target(%dma_start3A_178 : memref<128x32xf32, #tpu.memory_space<vmem>>) offsets(%dma_start3A_181 : memref<128xi32, #tpu.memory_space<vmem>>) semaphore(%arg12 : memref<!tpu.dma_semaphore, #tpu.memory_space<semaphore_mem>>)
    %dma_wait3A_185 = arith.constant 0 : i32
    %dma_wait3A_186 = arith.constant 0 : i32
    %dma_wait3A_187 = arith.constant 0 : i32
    %dma_wait3A_188 = tpu.memref_slice %arg8[%dma_wait3A_186, %dma_wait3A_187] : memref<512x32xf32, #tpu.memory_space<vmem>> -> memref<128x32xf32, #tpu.memory_space<vmem>>
    %dma_wait3A_189 = arith.constant 0 : i32
    %dma_wait3A_190 = tpu.memref_slice %arg7[%dma_wait3A_185, %dma_wait3A_189] : memref<4x128xi32, #tpu.memory_space<vmem>> -> memref<1x128xi32, #tpu.memory_space<vmem>>
    %dma_wait3A_191 = tpu.memref_squeeze %dma_wait3A_190 : memref<1x128xi32, #tpu.memory_space<vmem>> -> memref<128xi32, #tpu.memory_space<vmem>>
    %dma_wait3A_192 = arith.constant 0 : i32
    %dma_wait3A_193 = arith.constant 0 : i32
    %dma_wait3A_194 = tpu.memref_slice %arg2[%dma_wait3A_192, %dma_wait3A_193] : memref<1024x32xf32, #tpu.memory_space<hbm>> -> memref<1024x32xf32, #tpu.memory_space<hbm>>
    tpu.wait_indirect_dma semaphore(%arg12 : memref<!tpu.dma_semaphore, #tpu.memory_space<semaphore_mem>>) src(%dma_wait3A_194 : memref<1024x32xf32, #tpu.memory_space<hbm>>) dst(%dma_wait3A_188 : memref<128x32xf32, #tpu.memory_space<vmem>>)
    %dma_wait3A_195 = arith.constant 1 : i32
    %dma_wait3A_196 = arith.constant 128 : i32
    %dma_wait3A_197 = arith.constant 0 : i32
    %dma_wait3A_198 = tpu.memref_slice %arg8[%dma_wait3A_196, %dma_wait3A_197] : memref<512x32xf32, #tpu.memory_space<vmem>> -> memref<128x32xf32, #tpu.memory_space<vmem>>
    %dma_wait3A_199 = arith.constant 0 : i32
    %dma_wait3A_200 = tpu.memref_slice %arg7[%dma_wait3A_195, %dma_wait3A_199] : memref<4x128xi32, #tpu.memory_space<vmem>> -> memref<1x128xi32, #tpu.memory_space<vmem>>
    %dma_wait3A_201 = tpu.memref_squeeze %dma_wait3A_200 : memref<1x128xi32, #tpu.memory_space<vmem>> -> memref<128xi32, #tpu.memory_space<vmem>>
    %dma_wait3A_202 = arith.constant 0 : i32
    %dma_wait3A_203 = arith.constant 0 : i32
    %dma_wait3A_204 = tpu.memref_slice %arg2[%dma_wait3A_202, %dma_wait3A_203] : memref<1024x32xf32, #tpu.memory_space<hbm>> -> memref<1024x32xf32, #tpu.memory_space<hbm>>
    tpu.wait_indirect_dma semaphore(%arg12 : memref<!tpu.dma_semaphore, #tpu.memory_space<semaphore_mem>>) src(%dma_wait3A_204 : memref<1024x32xf32, #tpu.memory_space<hbm>>) dst(%dma_wait3A_198 : memref<128x32xf32, #tpu.memory_space<vmem>>)
    %dma_wait3A_205 = arith.constant 2 : i32
    %dma_wait3A_206 = arith.constant 256 : i32
    %dma_wait3A_207 = arith.constant 0 : i32
    %dma_wait3A_208 = tpu.memref_slice %arg8[%dma_wait3A_206, %dma_wait3A_207] : memref<512x32xf32, #tpu.memory_space<vmem>> -> memref<128x32xf32, #tpu.memory_space<vmem>>
    %dma_wait3A_209 = arith.constant 0 : i32
    %dma_wait3A_210 = tpu.memref_slice %arg7[%dma_wait3A_205, %dma_wait3A_209] : memref<4x128xi32, #tpu.memory_space<vmem>> -> memref<1x128xi32, #tpu.memory_space<vmem>>
    %dma_wait3A_211 = tpu.memref_squeeze %dma_wait3A_210 : memref<1x128xi32, #tpu.memory_space<vmem>> -> memref<128xi32, #tpu.memory_space<vmem>>
    %dma_wait3A_212 = arith.constant 0 : i32
    %dma_wait3A_213 = arith.constant 0 : i32
    %dma_wait3A_214 = tpu.memref_slice %arg2[%dma_wait3A_212, %dma_wait3A_213] : memref<1024x32xf32, #tpu.memory_space<hbm>> -> memref<1024x32xf32, #tpu.memory_space<hbm>>
    tpu.wait_indirect_dma semaphore(%arg12 : memref<!tpu.dma_semaphore, #tpu.memory_space<semaphore_mem>>) src(%dma_wait3A_214 : memref<1024x32xf32, #tpu.memory_space<hbm>>) dst(%dma_wait3A_208 : memref<128x32xf32, #tpu.memory_space<vmem>>)
    %dma_wait3A_215 = arith.constant 3 : i32
    %dma_wait3A_216 = arith.constant 384 : i32
    %dma_wait3A_217 = arith.constant 0 : i32
    %dma_wait3A_218 = tpu.memref_slice %arg8[%dma_wait3A_216, %dma_wait3A_217] : memref<512x32xf32, #tpu.memory_space<vmem>> -> memref<128x32xf32, #tpu.memory_space<vmem>>
    %dma_wait3A_219 = arith.constant 0 : i32
    %dma_wait3A_220 = tpu.memref_slice %arg7[%dma_wait3A_215, %dma_wait3A_219] : memref<4x128xi32, #tpu.memory_space<vmem>> -> memref<1x128xi32, #tpu.memory_space<vmem>>
    %dma_wait3A_221 = tpu.memref_squeeze %dma_wait3A_220 : memref<1x128xi32, #tpu.memory_space<vmem>> -> memref<128xi32, #tpu.memory_space<vmem>>
    %dma_wait3A_222 = arith.constant 0 : i32
    %dma_wait3A_223 = arith.constant 0 : i32
    %dma_wait3A_224 = tpu.memref_slice %arg2[%dma_wait3A_222, %dma_wait3A_223] : memref<1024x32xf32, #tpu.memory_space<hbm>> -> memref<1024x32xf32, #tpu.memory_space<hbm>>
    tpu.wait_indirect_dma semaphore(%arg12 : memref<!tpu.dma_semaphore, #tpu.memory_space<semaphore_mem>>) src(%dma_wait3A_224 : memref<1024x32xf32, #tpu.memory_space<hbm>>) dst(%dma_wait3A_218 : memref<128x32xf32, #tpu.memory_space<vmem>>)
    %scan3A = arith.constant 0 : i32
    %scan3A_225 = arith.constant 0 : i32
    %scan3A_226 = arith.constant 4 : i32
    %scan3A_227 = arith.addi %scan3A_225, %scan3A_226 : i32
    %scan3A_228 = arith.constant 1 : i32
    scf.for %scan3A_260 = %scan3A_225 to %scan3A_227 step %scan3A_228  : i32 {
      %mul3A_261 = arith.constant 2 : i32
      %mul3A_262 = arith.muli %scan3A_260, %mul3A_261 : i32
      %add3A_263 = arith.constant 0 : i32
      %add3A_264 = arith.addi %mul3A_262, %add3A_263 : i32
      %mul3A_265 = arith.constant 64 : i32
      %mul3A_266 = arith.muli %add3A_264, %mul3A_265 : i32
      %add3A_267 = arith.addi %mul3A_2, %mul3A_266 : i32
      %dma_wait3A_268 = arith.constant 0 : i32
      %dma_wait3A_269 = arith.constant 0 : i32
      %dma_wait3A_270 = arith.constant 0 : i32
      %dma_wait3A_271 = tpu.memref_slice %arg9[%dma_wait3A_268, %dma_wait3A_269, %dma_wait3A_270] : memref<2x64x128xf32, #tpu.memory_space<vmem>> -> memref<1x64x128xf32, #tpu.memory_space<vmem>>
      %dma_wait3A_272 = tpu.memref_squeeze %dma_wait3A_271 : memref<1x64x128xf32, #tpu.memory_space<vmem>> -> memref<64x128xf32, #tpu.memory_space<vmem>>
      %dma_wait3A_273 = arith.constant 0 : i32
      %dma_wait3A_274 = tpu.memref_slice %arg4[%add3A_267, %dma_wait3A_273] : memref<16384x128xf32, #tpu.memory_space<hbm>> -> memref<64x128xf32, #tpu.memory_space<hbm>>
      %dma_wait3A_275 = arith.constant 0 : i32
      %dma_wait3A_276 = arith.constant 0 : i32
      %dma_wait3A_277 = tpu.memref_slice %arg9[%dma_wait3A_268, %dma_wait3A_275, %dma_wait3A_276] : memref<2x64x128xf32, #tpu.memory_space<vmem>> -> memref<1x64x128xf32, #tpu.memory_space<vmem>>
      %dma_wait3A_278 = tpu.memref_squeeze %dma_wait3A_277 : memref<1x64x128xf32, #tpu.memory_space<vmem>> -> memref<64x128xf32, #tpu.memory_space<vmem>>
      %dma_wait3A_279 = arith.constant 0 : i32
      %dma_wait3A_280 = tpu.memref_slice %arg4[%add3A_267, %dma_wait3A_279] : memref<16384x128xf32, #tpu.memory_space<hbm>> -> memref<64x128xf32, #tpu.memory_space<hbm>>
      tpu.wait_dma2 semaphore(%arg13 : memref<!tpu.dma_semaphore, #tpu.memory_space<semaphore_mem>>) src(%dma_wait3A_280 : memref<64x128xf32, #tpu.memory_space<hbm>>) dst(%dma_wait3A_278 : memref<64x128xf32, #tpu.memory_space<vmem>>)
      %dma_wait3A_281 = arith.constant 0 : i32
      %dma_wait3A_282 = arith.constant 0 : i32
      %dma_wait3A_283 = arith.constant 0 : i32
      %dma_wait3A_284 = tpu.memref_slice %arg10[%dma_wait3A_281, %dma_wait3A_282, %dma_wait3A_283] : memref<2x64x128xf32, #tpu.memory_space<vmem>> -> memref<1x64x128xf32, #tpu.memory_space<vmem>>
      %dma_wait3A_285 = tpu.memref_squeeze %dma_wait3A_284 : memref<1x64x128xf32, #tpu.memory_space<vmem>> -> memref<64x128xf32, #tpu.memory_space<vmem>>
      %dma_wait3A_286 = arith.constant 0 : i32
      %dma_wait3A_287 = tpu.memref_slice %arg5[%add3A_267, %dma_wait3A_286] : memref<16384x128xf32, #tpu.memory_space<hbm>> -> memref<64x128xf32, #tpu.memory_space<hbm>>
      %dma_wait3A_288 = arith.constant 0 : i32
      %dma_wait3A_289 = arith.constant 0 : i32
      %dma_wait3A_290 = tpu.memref_slice %arg10[%dma_wait3A_281, %dma_wait3A_288, %dma_wait3A_289] : memref<2x64x128xf32, #tpu.memory_space<vmem>> -> memref<1x64x128xf32, #tpu.memory_space<vmem>>
      %dma_wait3A_291 = tpu.memref_squeeze %dma_wait3A_290 : memref<1x64x128xf32, #tpu.memory_space<vmem>> -> memref<64x128xf32, #tpu.memory_space<vmem>>
      %dma_wait3A_292 = arith.constant 0 : i32
      %dma_wait3A_293 = tpu.memref_slice %arg5[%add3A_267, %dma_wait3A_292] : memref<16384x128xf32, #tpu.memory_space<hbm>> -> memref<64x128xf32, #tpu.memory_space<hbm>>
      tpu.wait_dma2 semaphore(%arg14 : memref<!tpu.dma_semaphore, #tpu.memory_space<semaphore_mem>>) src(%dma_wait3A_293 : memref<64x128xf32, #tpu.memory_space<hbm>>) dst(%dma_wait3A_291 : memref<64x128xf32, #tpu.memory_space<vmem>>)
      %ge3A = arith.constant 2 : i32
      %ge3A_294 = arith.cmpi sge, %add3A_264, %ge3A : i32
      %convert_element_type3A = arith.extui %ge3A_294 : i1 to i32
      %cond3A = arith.constant 0 : i32
      %cond3A_295 = arith.cmpi ne, %convert_element_type3A, %cond3A : i32
      scf.if %cond3A_295 {
        %sub3A = arith.constant 2 : i32
        %sub3A_391 = arith.subi %add3A_264, %sub3A : i32
        %mul3A_392 = arith.constant 64 : i32
        %mul3A_393 = arith.muli %sub3A_391, %mul3A_392 : i32
        %add3A_394 = arith.addi %mul3A_2, %mul3A_393 : i32
        %dma_wait3A_395 = arith.constant 0 : i32
        %dma_wait3A_396 = arith.constant 0 : i32
        %dma_wait3A_397 = arith.constant 0 : i32
        %dma_wait3A_398 = tpu.memref_slice %arg11[%dma_wait3A_395, %dma_wait3A_396, %dma_wait3A_397] : memref<2x64x128xf32, #tpu.memory_space<vmem>> -> memref<1x64x128xf32, #tpu.memory_space<vmem>>
        %dma_wait3A_399 = tpu.memref_squeeze %dma_wait3A_398 : memref<1x64x128xf32, #tpu.memory_space<vmem>> -> memref<64x128xf32, #tpu.memory_space<vmem>>
        %dma_wait3A_400 = arith.constant 0 : i32
        %dma_wait3A_401 = tpu.memref_slice %arg6[%add3A_394, %dma_wait3A_400] : memref<16384x128xf32, #tpu.memory_space<hbm>> -> memref<64x128xf32, #tpu.memory_space<hbm>>
        %dma_wait3A_402 = arith.constant 0 : i32
        %dma_wait3A_403 = tpu.memref_slice %arg6[%add3A_394, %dma_wait3A_402] : memref<16384x128xf32, #tpu.memory_space<hbm>> -> memref<64x128xf32, #tpu.memory_space<hbm>>
        %dma_wait3A_404 = arith.constant 0 : i32
        %dma_wait3A_405 = arith.constant 0 : i32
        %dma_wait3A_406 = tpu.memref_slice %arg11[%dma_wait3A_395, %dma_wait3A_404, %dma_wait3A_405] : memref<2x64x128xf32, #tpu.memory_space<vmem>> -> memref<1x64x128xf32, #tpu.memory_space<vmem>>
        %dma_wait3A_407 = tpu.memref_squeeze %dma_wait3A_406 : memref<1x64x128xf32, #tpu.memory_space<vmem>> -> memref<64x128xf32, #tpu.memory_space<vmem>>
        tpu.wait_dma2 semaphore(%arg15 : memref<!tpu.dma_semaphore, #tpu.memory_space<semaphore_mem>>) src(%dma_wait3A_407 : memref<64x128xf32, #tpu.memory_space<vmem>>) dst(%dma_wait3A_403 : memref<64x128xf32, #tpu.memory_space<hbm>>)
      } else {
      }
      %scan3A_296 = arith.constant 0 : i32
      %scan3A_297 = arith.constant 0 : i32
      %scan3A_298 = arith.constant 64 : i32
      %scan3A_299 = arith.addi %scan3A_297, %scan3A_298 : i32
      %scan3A_300 = arith.constant 1 : i32
      scf.for %scan3A_391 = %scan3A_297 to %scan3A_299 step %scan3A_300  : i32 {
        %mul3A_392 = arith.constant 64 : i32
        %mul3A_393 = arith.muli %add3A_264, %mul3A_392 : i32
        %add3A_394 = arith.addi %mul3A_393, %scan3A_391 : i32
        %get3A = arith.index_cast %add3A_394 : i32 to index
        %get3A_395 = arith.constant 0 : index
        %get3A_396 = tpu.vector_load %arg8[%get3A, %get3A_395] {strides = array<i32>} : memref<512x32xf32, #tpu.memory_space<vmem>>, vector<1x16xf32>,
        %get3A_397 = vector.shape_cast %get3A_396 : vector<1x16xf32> to vector<16xf32>
        %get3A_398 = arith.index_cast %add3A_394 : i32 to index
        %get3A_399 = arith.constant 16 : index
        %get3A_400 = tpu.vector_load %arg8[%get3A_398, %get3A_399] {strides = array<i32>} : memref<512x32xf32, #tpu.memory_space<vmem>>, vector<1x16xf32>,
        %get3A_401 = vector.shape_cast %get3A_400 : vector<1x16xf32> to vector<16xf32>
        %get3A_402 = arith.constant 0 : i32
        %get3A_403 = arith.index_cast %get3A_402 : i32 to index
        %get3A_404 = arith.index_cast %scan3A_391 : i32 to index
        %get3A_405 = arith.constant 0 : index
        %get3A_406 = tpu.vector_load %arg9[%get3A_403, %get3A_404, %get3A_405] {strides = array<i32>} : memref<2x64x128xf32, #tpu.memory_space<vmem>>, vector<1x1x16xf32>,
        %get3A_407 = vector.shape_cast %get3A_406 : vector<1x1x16xf32> to vector<16xf32>
        %mul3A_408 = arith.mulf %get3A_397, %get3A_407 : vector<16xf32>
        %get3A_409 = arith.constant 0 : i32
        %get3A_410 = arith.index_cast %get3A_409 : i32 to index
        %get3A_411 = arith.index_cast %scan3A_391 : i32 to index
        %get3A_412 = arith.constant 0 : index
        %get3A_413 = tpu.vector_load %arg10[%get3A_410, %get3A_411, %get3A_412] {strides = array<i32>} : memref<2x64x128xf32, #tpu.memory_space<vmem>>, vector<1x1x16xf32>,
        %get3A_414 = vector.shape_cast %get3A_413 : vector<1x1x16xf32> to vector<16xf32>
        %mul3A_415 = arith.mulf %get3A_401, %get3A_414 : vector<16xf32>
        %add3A_416 = arith.addf %mul3A_408, %mul3A_415 : vector<16xf32>
        %swap3A = arith.constant 0 : i32
        %swap3A_417 = arith.index_cast %swap3A : i32 to index
        %swap3A_418 = arith.index_cast %scan3A_391 : i32 to index
        %swap3A_419 = arith.constant 0 : index
        %swap3A_420 = tpu.vector_load %arg11[%swap3A_417, %swap3A_418, %swap3A_419] {strides = array<i32>} : memref<2x64x128xf32, #tpu.memory_space<vmem>>, vector<1x1x16xf32>,
        %swap3A_421 = vector.shape_cast %swap3A_420 : vector<1x1x16xf32> to vector<16xf32>
        %swap3A_422 = vector.shape_cast %add3A_416 : vector<16xf32> to vector<1x1x16xf32>
        tpu.vector_store %arg11[%swap3A_417, %swap3A_418, %swap3A_419], %swap3A_422 {strides = array<i32>} : memref<2x64x128xf32, #tpu.memory_space<vmem>>, vector<1x1x16xf32>,
        %get3A_423 = arith.constant 0 : i32
        %get3A_424 = arith.index_cast %get3A_423 : i32 to index
        %get3A_425 = arith.index_cast %scan3A_391 : i32 to index
        %get3A_426 = arith.constant 16 : index
        %get3A_427 = tpu.vector_load %arg9[%get3A_424, %get3A_425, %get3A_426] {strides = array<i32>} : memref<2x64x128xf32, #tpu.memory_space<vmem>>, vector<1x1x16xf32>,
        %get3A_428 = vector.shape_cast %get3A_427 : vector<1x1x16xf32> to vector<16xf32>
        %mul3A_429 = arith.mulf %get3A_397, %get3A_428 : vector<16xf32>
        %get3A_430 = arith.constant 0 : i32
        %get3A_431 = arith.index_cast %get3A_430 : i32 to index
        %get3A_432 = arith.index_cast %scan3A_391 : i32 to index
        %get3A_433 = arith.constant 16 : index
        %get3A_434 = tpu.vector_load %arg10[%get3A_431, %get3A_432, %get3A_433] {strides = array<i32>} : memref<2x64x128xf32, #tpu.memory_space<vmem>>, vector<1x1x16xf32>,
        %get3A_435 = vector.shape_cast %get3A_434 : vector<1x1x16xf32> to vector<16xf32>
        %mul3A_436 = arith.mulf %get3A_401, %get3A_435 : vector<16xf32>
        %add3A_437 = arith.addf %mul3A_429, %mul3A_436 : vector<16xf32>
        %swap3A_438 = arith.constant 0 : i32
        %swap3A_439 = arith.index_cast %swap3A_438 : i32 to index
        %swap3A_440 = arith.index_cast %scan3A_391 : i32 to index
        %swap3A_441 = arith.constant 16 : index
        %swap3A_442 = tpu.vector_load %arg11[%swap3A_439, %swap3A_440, %swap3A_441] {strides = array<i32>} : memref<2x64x128xf32, #tpu.memory_space<vmem>>, vector<1x1x16xf32>,
        %swap3A_443 = vector.shape_cast %swap3A_442 : vector<1x1x16xf32> to vector<16xf32>
        %swap3A_444 = vector.shape_cast %add3A_437 : vector<16xf32> to vector<1x1x16xf32>
        tpu.vector_store %arg11[%swap3A_439, %swap3A_440, %swap3A_441], %swap3A_444 {strides = array<i32>} : memref<2x64x128xf32, #tpu.memory_space<vmem>>, vector<1x1x16xf32>,
        %get3A_445 = arith.constant 0 : i32
        %get3A_446 = arith.index_cast %get3A_445 : i32 to index
        %get3A_447 = arith.index_cast %scan3A_391 : i32 to index
        %get3A_448 = arith.constant 32 : index
        %get3A_449 = tpu.vector_load %arg9[%get3A_446, %get3A_447, %get3A_448] {strides = array<i32>} : memref<2x64x128xf32, #tpu.memory_space<vmem>>, vector<1x1x16xf32>,
        %get3A_450 = vector.shape_cast %get3A_449 : vector<1x1x16xf32> to vector<16xf32>
        %mul3A_451 = arith.mulf %get3A_397, %get3A_450 : vector<16xf32>
        %get3A_452 = arith.constant 0 : i32
        %get3A_453 = arith.index_cast %get3A_452 : i32 to index
        %get3A_454 = arith.index_cast %scan3A_391 : i32 to index
        %get3A_455 = arith.constant 32 : index
        %get3A_456 = tpu.vector_load %arg10[%get3A_453, %get3A_454, %get3A_455] {strides = array<i32>} : memref<2x64x128xf32, #tpu.memory_space<vmem>>, vector<1x1x16xf32>,
        %get3A_457 = vector.shape_cast %get3A_456 : vector<1x1x16xf32> to vector<16xf32>
        %mul3A_458 = arith.mulf %get3A_401, %get3A_457 : vector<16xf32>
        %add3A_459 = arith.addf %mul3A_451, %mul3A_458 : vector<16xf32>
        %swap3A_460 = arith.constant 0 : i32
        %swap3A_461 = arith.index_cast %swap3A_460 : i32 to index
        %swap3A_462 = arith.index_cast %scan3A_391 : i32 to index
        %swap3A_463 = arith.constant 32 : index
        %swap3A_464 = tpu.vector_load %arg11[%swap3A_461, %swap3A_462, %swap3A_463] {strides = array<i32>} : memref<2x64x128xf32, #tpu.memory_space<vmem>>, vector<1x1x16xf32>,
        %swap3A_465 = vector.shape_cast %swap3A_464 : vector<1x1x16xf32> to vector<16xf32>
        %swap3A_466 = vector.shape_cast %add3A_459 : vector<16xf32> to vector<1x1x16xf32>
        tpu.vector_store %arg11[%swap3A_461, %swap3A_462, %swap3A_463], %swap3A_466 {strides = array<i32>} : memref<2x64x128xf32, #tpu.memory_space<vmem>>, vector<1x1x16xf32>,
        %get3A_467 = arith.constant 0 : i32
        %get3A_468 = arith.index_cast %get3A_467 : i32 to index
        %get3A_469 = arith.index_cast %scan3A_391 : i32 to index
        %get3A_470 = arith.constant 48 : index
        %get3A_471 = tpu.vector_load %arg9[%get3A_468, %get3A_469, %get3A_470] {strides = array<i32>} : memref<2x64x128xf32, #tpu.memory_space<vmem>>, vector<1x1x16xf32>,
        %get3A_472 = vector.shape_cast %get3A_471 : vector<1x1x16xf32> to vector<16xf32>
        %mul3A_473 = arith.mulf %get3A_397, %get3A_472 : vector<16xf32>
        %get3A_474 = arith.constant 0 : i32
        %get3A_475 = arith.index_cast %get3A_474 : i32 to index
        %get3A_476 = arith.index_cast %scan3A_391 : i32 to index
        %get3A_477 = arith.constant 48 : index
        %get3A_478 = tpu.vector_load %arg10[%get3A_475, %get3A_476, %get3A_477] {strides = array<i32>} : memref<2x64x128xf32, #tpu.memory_space<vmem>>, vector<1x1x16xf32>,
        %get3A_479 = vector.shape_cast %get3A_478 : vector<1x1x16xf32> to vector<16xf32>
        %mul3A_480 = arith.mulf %get3A_401, %get3A_479 : vector<16xf32>
        %add3A_481 = arith.addf %mul3A_473, %mul3A_480 : vector<16xf32>
        %swap3A_482 = arith.constant 0 : i32
        %swap3A_483 = arith.index_cast %swap3A_482 : i32 to index
        %swap3A_484 = arith.index_cast %scan3A_391 : i32 to index
        %swap3A_485 = arith.constant 48 : index
        %swap3A_486 = tpu.vector_load %arg11[%swap3A_483, %swap3A_484, %swap3A_485] {strides = array<i32>} : memref<2x64x128xf32, #tpu.memory_space<vmem>>, vector<1x1x16xf32>,
        %swap3A_487 = vector.shape_cast %swap3A_486 : vector<1x1x16xf32> to vector<16xf32>
        %swap3A_488 = vector.shape_cast %add3A_481 : vector<16xf32> to vector<1x1x16xf32>
        tpu.vector_store %arg11[%swap3A_483, %swap3A_484, %swap3A_485], %swap3A_488 {strides = array<i32>} : memref<2x64x128xf32, #tpu.memory_space<vmem>>, vector<1x1x16xf32>,
        %get3A_489 = arith.constant 0 : i32
        %get3A_490 = arith.index_cast %get3A_489 : i32 to index
        %get3A_491 = arith.index_cast %scan3A_391 : i32 to index
        %get3A_492 = arith.constant 64 : index
        %get3A_493 = tpu.vector_load %arg9[%get3A_490, %get3A_491, %get3A_492] {strides = array<i32>} : memref<2x64x128xf32, #tpu.memory_space<vmem>>, vector<1x1x16xf32>,
        %get3A_494 = vector.shape_cast %get3A_493 : vector<1x1x16xf32> to vector<16xf32>
        %mul3A_495 = arith.mulf %get3A_397, %get3A_494 : vector<16xf32>
        %get3A_496 = arith.constant 0 : i32
        %get3A_497 = arith.index_cast %get3A_496 : i32 to index
        %get3A_498 = arith.index_cast %scan3A_391 : i32 to index
        %get3A_499 = arith.constant 64 : index
        %get3A_500 = tpu.vector_load %arg10[%get3A_497, %get3A_498, %get3A_499] {strides = array<i32>} : memref<2x64x128xf32, #tpu.memory_space<vmem>>, vector<1x1x16xf32>,
        %get3A_501 = vector.shape_cast %get3A_500 : vector<1x1x16xf32> to vector<16xf32>
        %mul3A_502 = arith.mulf %get3A_401, %get3A_501 : vector<16xf32>
        %add3A_503 = arith.addf %mul3A_495, %mul3A_502 : vector<16xf32>
        %swap3A_504 = arith.constant 0 : i32
        %swap3A_505 = arith.index_cast %swap3A_504 : i32 to index
        %swap3A_506 = arith.index_cast %scan3A_391 : i32 to index
        %swap3A_507 = arith.constant 64 : index
        %swap3A_508 = tpu.vector_load %arg11[%swap3A_505, %swap3A_506, %swap3A_507] {strides = array<i32>} : memref<2x64x128xf32, #tpu.memory_space<vmem>>, vector<1x1x16xf32>,
        %swap3A_509 = vector.shape_cast %swap3A_508 : vector<1x1x16xf32> to vector<16xf32>
        %swap3A_510 = vector.shape_cast %add3A_503 : vector<16xf32> to vector<1x1x16xf32>
        tpu.vector_store %arg11[%swap3A_505, %swap3A_506, %swap3A_507], %swap3A_510 {strides = array<i32>} : memref<2x64x128xf32, #tpu.memory_space<vmem>>, vector<1x1x16xf32>,
        %get3A_511 = arith.constant 0 : i32
        %get3A_512 = arith.index_cast %get3A_511 : i32 to index
        %get3A_513 = arith.index_cast %scan3A_391 : i32 to index
        %get3A_514 = arith.constant 80 : index
        %get3A_515 = tpu.vector_load %arg9[%get3A_512, %get3A_513, %get3A_514] {strides = array<i32>} : memref<2x64x128xf32, #tpu.memory_space<vmem>>, vector<1x1x16xf32>,
        %get3A_516 = vector.shape_cast %get3A_515 : vector<1x1x16xf32> to vector<16xf32>
        %mul3A_517 = arith.mulf %get3A_397, %get3A_516 : vector<16xf32>
        %get3A_518 = arith.constant 0 : i32
        %get3A_519 = arith.index_cast %get3A_518 : i32 to index
        %get3A_520 = arith.index_cast %scan3A_391 : i32 to index
        %get3A_521 = arith.constant 80 : index
        %get3A_522 = tpu.vector_load %arg10[%get3A_519, %get3A_520, %get3A_521] {strides = array<i32>} : memref<2x64x128xf32, #tpu.memory_space<vmem>>, vector<1x1x16xf32>,
        %get3A_523 = vector.shape_cast %get3A_522 : vector<1x1x16xf32> to vector<16xf32>
        %mul3A_524 = arith.mulf %get3A_401, %get3A_523 : vector<16xf32>
        %add3A_525 = arith.addf %mul3A_517, %mul3A_524 : vector<16xf32>
        %swap3A_526 = arith.constant 0 : i32
        %swap3A_527 = arith.index_cast %swap3A_526 : i32 to index
        %swap3A_528 = arith.index_cast %scan3A_391 : i32 to index
        %swap3A_529 = arith.constant 80 : index
        %swap3A_530 = tpu.vector_load %arg11[%swap3A_527, %swap3A_528, %swap3A_529] {strides = array<i32>} : memref<2x64x128xf32, #tpu.memory_space<vmem>>, vector<1x1x16xf32>,
        %swap3A_531 = vector.shape_cast %swap3A_530 : vector<1x1x16xf32> to vector<16xf32>
        %swap3A_532 = vector.shape_cast %add3A_525 : vector<16xf32> to vector<1x1x16xf32>
        tpu.vector_store %arg11[%swap3A_527, %swap3A_528, %swap3A_529], %swap3A_532 {strides = array<i32>} : memref<2x64x128xf32, #tpu.memory_space<vmem>>, vector<1x1x16xf32>,
        %get3A_533 = arith.constant 0 : i32
        %get3A_534 = arith.index_cast %get3A_533 : i32 to index
        %get3A_535 = arith.index_cast %scan3A_391 : i32 to index
        %get3A_536 = arith.constant 96 : index
        %get3A_537 = tpu.vector_load %arg9[%get3A_534, %get3A_535, %get3A_536] {strides = array<i32>} : memref<2x64x128xf32, #tpu.memory_space<vmem>>, vector<1x1x16xf32>,
        %get3A_538 = vector.shape_cast %get3A_537 : vector<1x1x16xf32> to vector<16xf32>
        %mul3A_539 = arith.mulf %get3A_397, %get3A_538 : vector<16xf32>
        %get3A_540 = arith.constant 0 : i32
        %get3A_541 = arith.index_cast %get3A_540 : i32 to index
        %get3A_542 = arith.index_cast %scan3A_391 : i32 to index
        %get3A_543 = arith.constant 96 : index
        %get3A_544 = tpu.vector_load %arg10[%get3A_541, %get3A_542, %get3A_543] {strides = array<i32>} : memref<2x64x128xf32, #tpu.memory_space<vmem>>, vector<1x1x16xf32>,
        %get3A_545 = vector.shape_cast %get3A_544 : vector<1x1x16xf32> to vector<16xf32>
        %mul3A_546 = arith.mulf %get3A_401, %get3A_545 : vector<16xf32>
        %add3A_547 = arith.addf %mul3A_539, %mul3A_546 : vector<16xf32>
        %swap3A_548 = arith.constant 0 : i32
        %swap3A_549 = arith.index_cast %swap3A_548 : i32 to index
        %swap3A_550 = arith.index_cast %scan3A_391 : i32 to index
        %swap3A_551 = arith.constant 96 : index
        %swap3A_552 = tpu.vector_load %arg11[%swap3A_549, %swap3A_550, %swap3A_551] {strides = array<i32>} : memref<2x64x128xf32, #tpu.memory_space<vmem>>, vector<1x1x16xf32>,
        %swap3A_553 = vector.shape_cast %swap3A_552 : vector<1x1x16xf32> to vector<16xf32>
        %swap3A_554 = vector.shape_cast %add3A_547 : vector<16xf32> to vector<1x1x16xf32>
        tpu.vector_store %arg11[%swap3A_549, %swap3A_550, %swap3A_551], %swap3A_554 {strides = array<i32>} : memref<2x64x128xf32, #tpu.memory_space<vmem>>, vector<1x1x16xf32>,
        %get3A_555 = arith.constant 0 : i32
        %get3A_556 = arith.index_cast %get3A_555 : i32 to index
        %get3A_557 = arith.index_cast %scan3A_391 : i32 to index
        %get3A_558 = arith.constant 112 : index
        %get3A_559 = tpu.vector_load %arg9[%get3A_556, %get3A_557, %get3A_558] {strides = array<i32>} : memref<2x64x128xf32, #tpu.memory_space<vmem>>, vector<1x1x16xf32>,
        %get3A_560 = vector.shape_cast %get3A_559 : vector<1x1x16xf32> to vector<16xf32>
        %mul3A_561 = arith.mulf %get3A_397, %get3A_560 : vector<16xf32>
        %get3A_562 = arith.constant 0 : i32
        %get3A_563 = arith.index_cast %get3A_562 : i32 to index
        %get3A_564 = arith.index_cast %scan3A_391 : i32 to index
        %get3A_565 = arith.constant 112 : index
        %get3A_566 = tpu.vector_load %arg10[%get3A_563, %get3A_564, %get3A_565] {strides = array<i32>} : memref<2x64x128xf32, #tpu.memory_space<vmem>>, vector<1x1x16xf32>,
        %get3A_567 = vector.shape_cast %get3A_566 : vector<1x1x16xf32> to vector<16xf32>
        %mul3A_568 = arith.mulf %get3A_401, %get3A_567 : vector<16xf32>
        %add3A_569 = arith.addf %mul3A_561, %mul3A_568 : vector<16xf32>
        %swap3A_570 = arith.constant 0 : i32
        %swap3A_571 = arith.index_cast %swap3A_570 : i32 to index
        %swap3A_572 = arith.index_cast %scan3A_391 : i32 to index
        %swap3A_573 = arith.constant 112 : index
        %swap3A_574 = tpu.vector_load %arg11[%swap3A_571, %swap3A_572, %swap3A_573] {strides = array<i32>} : memref<2x64x128xf32, #tpu.memory_space<vmem>>, vector<1x1x16xf32>,
        %swap3A_575 = vector.shape_cast %swap3A_574 : vector<1x1x16xf32> to vector<16xf32>
        %swap3A_576 = vector.shape_cast %add3A_569 : vector<16xf32> to vector<1x1x16xf32>
        tpu.vector_store %arg11[%swap3A_571, %swap3A_572, %swap3A_573], %swap3A_576 {strides = array<i32>} : memref<2x64x128xf32, #tpu.memory_space<vmem>>, vector<1x1x16xf32>,
      }
      %scan3A_301 = arith.constant 64 : i32
      %mul3A_302 = arith.constant 64 : i32
      %mul3A_303 = arith.muli %add3A_264, %mul3A_302 : i32
      %add3A_304 = arith.addi %mul3A_2, %mul3A_303 : i32
      %dma_start3A_305 = arith.constant 0 : i32
      %dma_start3A_306 = arith.constant 0 : i32
      %dma_start3A_307 = arith.constant 0 : i32
      %dma_start3A_308 = tpu.memref_slice %arg11[%dma_start3A_305, %dma_start3A_306, %dma_start3A_307] : memref<2x64x128xf32, #tpu.memory_space<vmem>> -> memref<1x64x128xf32, #tpu.memory_space<vmem>>
      %dma_start3A_309 = tpu.memref_squeeze %dma_start3A_308 : memref<1x64x128xf32, #tpu.memory_space<vmem>> -> memref<64x128xf32, #tpu.memory_space<vmem>>
      %dma_start3A_310 = arith.constant 0 : i32
      %dma_start3A_311 = tpu.memref_slice %arg6[%add3A_304, %dma_start3A_310] : memref<16384x128xf32, #tpu.memory_space<hbm>> -> memref<64x128xf32, #tpu.memory_space<hbm>>
      %dma_start3A_312 = arith.constant 0 : i32
      %dma_start3A_313 = tpu.memref_slice %arg6[%add3A_304, %dma_start3A_312] : memref<16384x128xf32, #tpu.memory_space<hbm>> -> memref<64x128xf32, #tpu.memory_space<hbm>>
      %dma_start3A_314 = arith.constant 0 : i32
      %dma_start3A_315 = arith.constant 0 : i32
      %dma_start3A_316 = tpu.memref_slice %arg11[%dma_start3A_305, %dma_start3A_314, %dma_start3A_315] : memref<2x64x128xf32, #tpu.memory_space<vmem>> -> memref<1x64x128xf32, #tpu.memory_space<vmem>>
      %dma_start3A_317 = tpu.memref_squeeze %dma_start3A_316 : memref<1x64x128xf32, #tpu.memory_space<vmem>> -> memref<64x128xf32, #tpu.memory_space<vmem>>
      tpu.enqueue_dma source(%dma_start3A_317 : memref<64x128xf32, #tpu.memory_space<vmem>>) target(%dma_start3A_313 : memref<64x128xf32, #tpu.memory_space<hbm>>) target_semaphore(%arg15 : memref<!tpu.dma_semaphore, #tpu.memory_space<semaphore_mem>>)
      %add3A_318 = arith.constant 2 : i32
      %add3A_319 = arith.addi %add3A_264, %add3A_318 : i32
      %lt3A = arith.constant 8 : i32
      %lt3A_320 = arith.cmpi slt, %add3A_319, %lt3A : i32
      %convert_element_type3A_321 = arith.extui %lt3A_320 : i1 to i32
      %cond3A_322 = arith.constant 0 : i32
      %cond3A_323 = arith.cmpi ne, %convert_element_type3A_321, %cond3A_322 : i32
      scf.if %cond3A_323 {
        %add3A_391 = arith.constant 2 : i32
        %add3A_392 = arith.addi %add3A_264, %add3A_391 : i32
        %mul3A_393 = arith.constant 64 : i32
        %mul3A_394 = arith.muli %add3A_392, %mul3A_393 : i32
        %add3A_395 = arith.addi %mul3A_2, %mul3A_394 : i32
        %dma_start3A_396 = arith.constant 0 : i32
        %dma_start3A_397 = arith.constant 0 : i32
        %dma_start3A_398 = arith.constant 0 : i32
        %dma_start3A_399 = tpu.memref_slice %arg9[%dma_start3A_396, %dma_start3A_397, %dma_start3A_398] : memref<2x64x128xf32, #tpu.memory_space<vmem>> -> memref<1x64x128xf32, #tpu.memory_space<vmem>>
        %dma_start3A_400 = tpu.memref_squeeze %dma_start3A_399 : memref<1x64x128xf32, #tpu.memory_space<vmem>> -> memref<64x128xf32, #tpu.memory_space<vmem>>
        %dma_start3A_401 = arith.constant 0 : i32
        %dma_start3A_402 = tpu.memref_slice %arg4[%add3A_395, %dma_start3A_401] : memref<16384x128xf32, #tpu.memory_space<hbm>> -> memref<64x128xf32, #tpu.memory_space<hbm>>
        %dma_start3A_403 = arith.constant 0 : i32
        %dma_start3A_404 = arith.constant 0 : i32
        %dma_start3A_405 = tpu.memref_slice %arg9[%dma_start3A_396, %dma_start3A_403, %dma_start3A_404] : memref<2x64x128xf32, #tpu.memory_space<vmem>> -> memref<1x64x128xf32, #tpu.memory_space<vmem>>
        %dma_start3A_406 = tpu.memref_squeeze %dma_start3A_405 : memref<1x64x128xf32, #tpu.memory_space<vmem>> -> memref<64x128xf32, #tpu.memory_space<vmem>>
        %dma_start3A_407 = arith.constant 0 : i32
        %dma_start3A_408 = tpu.memref_slice %arg4[%add3A_395, %dma_start3A_407] : memref<16384x128xf32, #tpu.memory_space<hbm>> -> memref<64x128xf32, #tpu.memory_space<hbm>>
        tpu.enqueue_dma source(%dma_start3A_408 : memref<64x128xf32, #tpu.memory_space<hbm>>) target(%dma_start3A_406 : memref<64x128xf32, #tpu.memory_space<vmem>>) target_semaphore(%arg13 : memref<!tpu.dma_semaphore, #tpu.memory_space<semaphore_mem>>)
        %dma_start3A_409 = arith.constant 0 : i32
        %dma_start3A_410 = arith.constant 0 : i32
        %dma_start3A_411 = arith.constant 0 : i32
        %dma_start3A_412 = tpu.memref_slice %arg10[%dma_start3A_409, %dma_start3A_410, %dma_start3A_411] : memref<2x64x128xf32, #tpu.memory_space<vmem>> -> memref<1x64x128xf32, #tpu.memory_space<vmem>>
        %dma_start3A_413 = tpu.memref_squeeze %dma_start3A_412 : memref<1x64x128xf32, #tpu.memory_space<vmem>> -> memref<64x128xf32, #tpu.memory_space<vmem>>
        %dma_start3A_414 = arith.constant 0 : i32
        %dma_start3A_415 = tpu.memref_slice %arg5[%add3A_395, %dma_start3A_414] : memref<16384x128xf32, #tpu.memory_space<hbm>> -> memref<64x128xf32, #tpu.memory_space<hbm>>
        %dma_start3A_416 = arith.constant 0 : i32
        %dma_start3A_417 = arith.constant 0 : i32
        %dma_start3A_418 = tpu.memref_slice %arg10[%dma_start3A_409, %dma_start3A_416, %dma_start3A_417] : memref<2x64x128xf32, #tpu.memory_space<vmem>> -> memref<1x64x128xf32, #tpu.memory_space<vmem>>
        %dma_start3A_419 = tpu.memref_squeeze %dma_start3A_418 : memref<1x64x128xf32, #tpu.memory_space<vmem>> -> memref<64x128xf32, #tpu.memory_space<vmem>>
        %dma_start3A_420 = arith.constant 0 : i32
        %dma_start3A_421 = tpu.memref_slice %arg5[%add3A_395, %dma_start3A_420] : memref<16384x128xf32, #tpu.memory_space<hbm>> -> memref<64x128xf32, #tpu.memory_space<hbm>>
        tpu.enqueue_dma source(%dma_start3A_421 : memref<64x128xf32, #tpu.memory_space<hbm>>) target(%dma_start3A_419 : memref<64x128xf32, #tpu.memory_space<vmem>>) target_semaphore(%arg14 : memref<!tpu.dma_semaphore, #tpu.memory_space<semaphore_mem>>)
      } else {
      }
      %mul3A_324 = arith.constant 2 : i32
      %mul3A_325 = arith.muli %scan3A_260, %mul3A_324 : i32
      %add3A_326 = arith.constant 1 : i32
      %add3A_327 = arith.addi %mul3A_325, %add3A_326 : i32
      %mul3A_328 = arith.constant 64 : i32
      %mul3A_329 = arith.muli %add3A_327, %mul3A_328 : i32
      %add3A_330 = arith.addi %mul3A_2, %mul3A_329 : i32
      %dma_wait3A_331 = arith.constant 1 : i32
      %dma_wait3A_332 = arith.constant 0 : i32
      %dma_wait3A_333 = arith.constant 0 : i32
      %dma_wait3A_334 = tpu.memref_slice %arg9[%dma_wait3A_331, %dma_wait3A_332, %dma_wait3A_333] : memref<2x64x128xf32, #tpu.memory_space<vmem>> -> memref<1x64x128xf32, #tpu.memory_space<vmem>>
      %dma_wait3A_335 = tpu.memref_squeeze %dma_wait3A_334 : memref<1x64x128xf32, #tpu.memory_space<vmem>> -> memref<64x128xf32, #tpu.memory_space<vmem>>
      %dma_wait3A_336 = arith.constant 0 : i32
      %dma_wait3A_337 = tpu.memref_slice %arg4[%add3A_330, %dma_wait3A_336] : memref<16384x128xf32, #tpu.memory_space<hbm>> -> memref<64x128xf32, #tpu.memory_space<hbm>>
      %dma_wait3A_338 = arith.constant 0 : i32
      %dma_wait3A_339 = arith.constant 0 : i32
      %dma_wait3A_340 = tpu.memref_slice %arg9[%dma_wait3A_331, %dma_wait3A_338, %dma_wait3A_339] : memref<2x64x128xf32, #tpu.memory_space<vmem>> -> memref<1x64x128xf32, #tpu.memory_space<vmem>>
      %dma_wait3A_341 = tpu.memref_squeeze %dma_wait3A_340 : memref<1x64x128xf32, #tpu.memory_space<vmem>> -> memref<64x128xf32, #tpu.memory_space<vmem>>
      %dma_wait3A_342 = arith.constant 0 : i32
      %dma_wait3A_343 = tpu.memref_slice %arg4[%add3A_330, %dma_wait3A_342] : memref<16384x128xf32, #tpu.memory_space<hbm>> -> memref<64x128xf32, #tpu.memory_space<hbm>>
      tpu.wait_dma2 semaphore(%arg13 : memref<!tpu.dma_semaphore, #tpu.memory_space<semaphore_mem>>) src(%dma_wait3A_343 : memref<64x128xf32, #tpu.memory_space<hbm>>) dst(%dma_wait3A_341 : memref<64x128xf32, #tpu.memory_space<vmem>>)
      %dma_wait3A_344 = arith.constant 1 : i32
      %dma_wait3A_345 = arith.constant 0 : i32
      %dma_wait3A_346 = arith.constant 0 : i32
      %dma_wait3A_347 = tpu.memref_slice %arg10[%dma_wait3A_344, %dma_wait3A_345, %dma_wait3A_346] : memref<2x64x128xf32, #tpu.memory_space<vmem>> -> memref<1x64x128xf32, #tpu.memory_space<vmem>>
      %dma_wait3A_348 = tpu.memref_squeeze %dma_wait3A_347 : memref<1x64x128xf32, #tpu.memory_space<vmem>> -> memref<64x128xf32, #tpu.memory_space<vmem>>
      %dma_wait3A_349 = arith.constant 0 : i32
      %dma_wait3A_350 = tpu.memref_slice %arg5[%add3A_330, %dma_wait3A_349] : memref<16384x128xf32, #tpu.memory_space<hbm>> -> memref<64x128xf32, #tpu.memory_space<hbm>>
      %dma_wait3A_351 = arith.constant 0 : i32
      %dma_wait3A_352 = arith.constant 0 : i32
      %dma_wait3A_353 = tpu.memref_slice %arg10[%dma_wait3A_344, %dma_wait3A_351, %dma_wait3A_352] : memref<2x64x128xf32, #tpu.memory_space<vmem>> -> memref<1x64x128xf32, #tpu.memory_space<vmem>>
      %dma_wait3A_354 = tpu.memref_squeeze %dma_wait3A_353 : memref<1x64x128xf32, #tpu.memory_space<vmem>> -> memref<64x128xf32, #tpu.memory_space<vmem>>
      %dma_wait3A_355 = arith.constant 0 : i32
      %dma_wait3A_356 = tpu.memref_slice %arg5[%add3A_330, %dma_wait3A_355] : memref<16384x128xf32, #tpu.memory_space<hbm>> -> memref<64x128xf32, #tpu.memory_space<hbm>>
      tpu.wait_dma2 semaphore(%arg14 : memref<!tpu.dma_semaphore, #tpu.memory_space<semaphore_mem>>) src(%dma_wait3A_356 : memref<64x128xf32, #tpu.memory_space<hbm>>) dst(%dma_wait3A_354 : memref<64x128xf32, #tpu.memory_space<vmem>>)
      %ge3A_357 = arith.constant 2 : i32
      %ge3A_358 = arith.cmpi sge, %add3A_327, %ge3A_357 : i32
      %convert_element_type3A_359 = arith.extui %ge3A_358 : i1 to i32
      %cond3A_360 = arith.constant 0 : i32
      %cond3A_361 = arith.cmpi ne, %convert_element_type3A_359, %cond3A_360 : i32
      scf.if %cond3A_361 {
        %sub3A = arith.constant 2 : i32
        %sub3A_391 = arith.subi %add3A_327, %sub3A : i32
        %mul3A_392 = arith.constant 64 : i32
        %mul3A_393 = arith.muli %sub3A_391, %mul3A_392 : i32
        %add3A_394 = arith.addi %mul3A_2, %mul3A_393 : i32
        %dma_wait3A_395 = arith.constant 1 : i32
        %dma_wait3A_396 = arith.constant 0 : i32
        %dma_wait3A_397 = arith.constant 0 : i32
        %dma_wait3A_398 = tpu.memref_slice %arg11[%dma_wait3A_395, %dma_wait3A_396, %dma_wait3A_397] : memref<2x64x128xf32, #tpu.memory_space<vmem>> -> memref<1x64x128xf32, #tpu.memory_space<vmem>>
        %dma_wait3A_399 = tpu.memref_squeeze %dma_wait3A_398 : memref<1x64x128xf32, #tpu.memory_space<vmem>> -> memref<64x128xf32, #tpu.memory_space<vmem>>
        %dma_wait3A_400 = arith.constant 0 : i32
        %dma_wait3A_401 = tpu.memref_slice %arg6[%add3A_394, %dma_wait3A_400] : memref<16384x128xf32, #tpu.memory_space<hbm>> -> memref<64x128xf32, #tpu.memory_space<hbm>>
        %dma_wait3A_402 = arith.constant 0 : i32
        %dma_wait3A_403 = tpu.memref_slice %arg6[%add3A_394, %dma_wait3A_402] : memref<16384x128xf32, #tpu.memory_space<hbm>> -> memref<64x128xf32, #tpu.memory_space<hbm>>
        %dma_wait3A_404 = arith.constant 0 : i32
        %dma_wait3A_405 = arith.constant 0 : i32
        %dma_wait3A_406 = tpu.memref_slice %arg11[%dma_wait3A_395, %dma_wait3A_404, %dma_wait3A_405] : memref<2x64x128xf32, #tpu.memory_space<vmem>> -> memref<1x64x128xf32, #tpu.memory_space<vmem>>
        %dma_wait3A_407 = tpu.memref_squeeze %dma_wait3A_406 : memref<1x64x128xf32, #tpu.memory_space<vmem>> -> memref<64x128xf32, #tpu.memory_space<vmem>>
        tpu.wait_dma2 semaphore(%arg15 : memref<!tpu.dma_semaphore, #tpu.memory_space<semaphore_mem>>) src(%dma_wait3A_407 : memref<64x128xf32, #tpu.memory_space<vmem>>) dst(%dma_wait3A_403 : memref<64x128xf32, #tpu.memory_space<hbm>>)
      } else {
      }
      %scan3A_362 = arith.constant 0 : i32
      %scan3A_363 = arith.constant 0 : i32
      %scan3A_364 = arith.constant 64 : i32
      %scan3A_365 = arith.addi %scan3A_363, %scan3A_364 : i32
      %scan3A_366 = arith.constant 1 : i32
      scf.for %scan3A_391 = %scan3A_363 to %scan3A_365 step %scan3A_366  : i32 {
        %mul3A_392 = arith.constant 64 : i32
        %mul3A_393 = arith.muli %add3A_327, %mul3A_392 : i32
        %add3A_394 = arith.addi %mul3A_393, %scan3A_391 : i32
        %get3A = arith.index_cast %add3A_394 : i32 to index
        %get3A_395 = arith.constant 0 : index
        %get3A_396 = tpu.vector_load %arg8[%get3A, %get3A_395] {strides = array<i32>} : memref<512x32xf32, #tpu.memory_space<vmem>>, vector<1x16xf32>,
        %get3A_397 = vector.shape_cast %get3A_396 : vector<1x16xf32> to vector<16xf32>
        %get3A_398 = arith.index_cast %add3A_394 : i32 to index
        %get3A_399 = arith.constant 16 : index
        %get3A_400 = tpu.vector_load %arg8[%get3A_398, %get3A_399] {strides = array<i32>} : memref<512x32xf32, #tpu.memory_space<vmem>>, vector<1x16xf32>,
        %get3A_401 = vector.shape_cast %get3A_400 : vector<1x16xf32> to vector<16xf32>
        %get3A_402 = arith.constant 1 : i32
        %get3A_403 = arith.index_cast %get3A_402 : i32 to index
        %get3A_404 = arith.index_cast %scan3A_391 : i32 to index
        %get3A_405 = arith.constant 0 : index
        %get3A_406 = tpu.vector_load %arg9[%get3A_403, %get3A_404, %get3A_405] {strides = array<i32>} : memref<2x64x128xf32, #tpu.memory_space<vmem>>, vector<1x1x16xf32>,
        %get3A_407 = vector.shape_cast %get3A_406 : vector<1x1x16xf32> to vector<16xf32>
        %mul3A_408 = arith.mulf %get3A_397, %get3A_407 : vector<16xf32>
        %get3A_409 = arith.constant 1 : i32
        %get3A_410 = arith.index_cast %get3A_409 : i32 to index
        %get3A_411 = arith.index_cast %scan3A_391 : i32 to index
        %get3A_412 = arith.constant 0 : index
        %get3A_413 = tpu.vector_load %arg10[%get3A_410, %get3A_411, %get3A_412] {strides = array<i32>} : memref<2x64x128xf32, #tpu.memory_space<vmem>>, vector<1x1x16xf32>,
        %get3A_414 = vector.shape_cast %get3A_413 : vector<1x1x16xf32> to vector<16xf32>
        %mul3A_415 = arith.mulf %get3A_401, %get3A_414 : vector<16xf32>
        %add3A_416 = arith.addf %mul3A_408, %mul3A_415 : vector<16xf32>
        %swap3A = arith.constant 1 : i32
        %swap3A_417 = arith.index_cast %swap3A : i32 to index
        %swap3A_418 = arith.index_cast %scan3A_391 : i32 to index
        %swap3A_419 = arith.constant 0 : index
        %swap3A_420 = tpu.vector_load %arg11[%swap3A_417, %swap3A_418, %swap3A_419] {strides = array<i32>} : memref<2x64x128xf32, #tpu.memory_space<vmem>>, vector<1x1x16xf32>,
        %swap3A_421 = vector.shape_cast %swap3A_420 : vector<1x1x16xf32> to vector<16xf32>
        %swap3A_422 = vector.shape_cast %add3A_416 : vector<16xf32> to vector<1x1x16xf32>
        tpu.vector_store %arg11[%swap3A_417, %swap3A_418, %swap3A_419], %swap3A_422 {strides = array<i32>} : memref<2x64x128xf32, #tpu.memory_space<vmem>>, vector<1x1x16xf32>,
        %get3A_423 = arith.constant 1 : i32
        %get3A_424 = arith.index_cast %get3A_423 : i32 to index
        %get3A_425 = arith.index_cast %scan3A_391 : i32 to index
        %get3A_426 = arith.constant 16 : index
        %get3A_427 = tpu.vector_load %arg9[%get3A_424, %get3A_425, %get3A_426] {strides = array<i32>} : memref<2x64x128xf32, #tpu.memory_space<vmem>>, vector<1x1x16xf32>,
        %get3A_428 = vector.shape_cast %get3A_427 : vector<1x1x16xf32> to vector<16xf32>
        %mul3A_429 = arith.mulf %get3A_397, %get3A_428 : vector<16xf32>
        %get3A_430 = arith.constant 1 : i32
        %get3A_431 = arith.index_cast %get3A_430 : i32 to index
        %get3A_432 = arith.index_cast %scan3A_391 : i32 to index
        %get3A_433 = arith.constant 16 : index
        %get3A_434 = tpu.vector_load %arg10[%get3A_431, %get3A_432, %get3A_433] {strides = array<i32>} : memref<2x64x128xf32, #tpu.memory_space<vmem>>, vector<1x1x16xf32>,
        %get3A_435 = vector.shape_cast %get3A_434 : vector<1x1x16xf32> to vector<16xf32>
        %mul3A_436 = arith.mulf %get3A_401, %get3A_435 : vector<16xf32>
        %add3A_437 = arith.addf %mul3A_429, %mul3A_436 : vector<16xf32>
        %swap3A_438 = arith.constant 1 : i32
        %swap3A_439 = arith.index_cast %swap3A_438 : i32 to index
        %swap3A_440 = arith.index_cast %scan3A_391 : i32 to index
        %swap3A_441 = arith.constant 16 : index
        %swap3A_442 = tpu.vector_load %arg11[%swap3A_439, %swap3A_440, %swap3A_441] {strides = array<i32>} : memref<2x64x128xf32, #tpu.memory_space<vmem>>, vector<1x1x16xf32>,
        %swap3A_443 = vector.shape_cast %swap3A_442 : vector<1x1x16xf32> to vector<16xf32>
        %swap3A_444 = vector.shape_cast %add3A_437 : vector<16xf32> to vector<1x1x16xf32>
        tpu.vector_store %arg11[%swap3A_439, %swap3A_440, %swap3A_441], %swap3A_444 {strides = array<i32>} : memref<2x64x128xf32, #tpu.memory_space<vmem>>, vector<1x1x16xf32>,
        %get3A_445 = arith.constant 1 : i32
        %get3A_446 = arith.index_cast %get3A_445 : i32 to index
        %get3A_447 = arith.index_cast %scan3A_391 : i32 to index
        %get3A_448 = arith.constant 32 : index
        %get3A_449 = tpu.vector_load %arg9[%get3A_446, %get3A_447, %get3A_448] {strides = array<i32>} : memref<2x64x128xf32, #tpu.memory_space<vmem>>, vector<1x1x16xf32>,
        %get3A_450 = vector.shape_cast %get3A_449 : vector<1x1x16xf32> to vector<16xf32>
        %mul3A_451 = arith.mulf %get3A_397, %get3A_450 : vector<16xf32>
        %get3A_452 = arith.constant 1 : i32
        %get3A_453 = arith.index_cast %get3A_452 : i32 to index
        %get3A_454 = arith.index_cast %scan3A_391 : i32 to index
        %get3A_455 = arith.constant 32 : index
        %get3A_456 = tpu.vector_load %arg10[%get3A_453, %get3A_454, %get3A_455] {strides = array<i32>} : memref<2x64x128xf32, #tpu.memory_space<vmem>>, vector<1x1x16xf32>,
        %get3A_457 = vector.shape_cast %get3A_456 : vector<1x1x16xf32> to vector<16xf32>
        %mul3A_458 = arith.mulf %get3A_401, %get3A_457 : vector<16xf32>
        %add3A_459 = arith.addf %mul3A_451, %mul3A_458 : vector<16xf32>
        %swap3A_460 = arith.constant 1 : i32
        %swap3A_461 = arith.index_cast %swap3A_460 : i32 to index
        %swap3A_462 = arith.index_cast %scan3A_391 : i32 to index
        %swap3A_463 = arith.constant 32 : index
        %swap3A_464 = tpu.vector_load %arg11[%swap3A_461, %swap3A_462, %swap3A_463] {strides = array<i32>} : memref<2x64x128xf32, #tpu.memory_space<vmem>>, vector<1x1x16xf32>,
        %swap3A_465 = vector.shape_cast %swap3A_464 : vector<1x1x16xf32> to vector<16xf32>
        %swap3A_466 = vector.shape_cast %add3A_459 : vector<16xf32> to vector<1x1x16xf32>
        tpu.vector_store %arg11[%swap3A_461, %swap3A_462, %swap3A_463], %swap3A_466 {strides = array<i32>} : memref<2x64x128xf32, #tpu.memory_space<vmem>>, vector<1x1x16xf32>,
        %get3A_467 = arith.constant 1 : i32
        %get3A_468 = arith.index_cast %get3A_467 : i32 to index
        %get3A_469 = arith.index_cast %scan3A_391 : i32 to index
        %get3A_470 = arith.constant 48 : index
        %get3A_471 = tpu.vector_load %arg9[%get3A_468, %get3A_469, %get3A_470] {strides = array<i32>} : memref<2x64x128xf32, #tpu.memory_space<vmem>>, vector<1x1x16xf32>,
        %get3A_472 = vector.shape_cast %get3A_471 : vector<1x1x16xf32> to vector<16xf32>
        %mul3A_473 = arith.mulf %get3A_397, %get3A_472 : vector<16xf32>
        %get3A_474 = arith.constant 1 : i32
        %get3A_475 = arith.index_cast %get3A_474 : i32 to index
        %get3A_476 = arith.index_cast %scan3A_391 : i32 to index
        %get3A_477 = arith.constant 48 : index
        %get3A_478 = tpu.vector_load %arg10[%get3A_475, %get3A_476, %get3A_477] {strides = array<i32>} : memref<2x64x128xf32, #tpu.memory_space<vmem>>, vector<1x1x16xf32>,
        %get3A_479 = vector.shape_cast %get3A_478 : vector<1x1x16xf32> to vector<16xf32>
        %mul3A_480 = arith.mulf %get3A_401, %get3A_479 : vector<16xf32>
        %add3A_481 = arith.addf %mul3A_473, %mul3A_480 : vector<16xf32>
        %swap3A_482 = arith.constant 1 : i32
        %swap3A_483 = arith.index_cast %swap3A_482 : i32 to index
        %swap3A_484 = arith.index_cast %scan3A_391 : i32 to index
        %swap3A_485 = arith.constant 48 : index
        %swap3A_486 = tpu.vector_load %arg11[%swap3A_483, %swap3A_484, %swap3A_485] {strides = array<i32>} : memref<2x64x128xf32, #tpu.memory_space<vmem>>, vector<1x1x16xf32>,
        %swap3A_487 = vector.shape_cast %swap3A_486 : vector<1x1x16xf32> to vector<16xf32>
        %swap3A_488 = vector.shape_cast %add3A_481 : vector<16xf32> to vector<1x1x16xf32>
        tpu.vector_store %arg11[%swap3A_483, %swap3A_484, %swap3A_485], %swap3A_488 {strides = array<i32>} : memref<2x64x128xf32, #tpu.memory_space<vmem>>, vector<1x1x16xf32>,
        %get3A_489 = arith.constant 1 : i32
        %get3A_490 = arith.index_cast %get3A_489 : i32 to index
        %get3A_491 = arith.index_cast %scan3A_391 : i32 to index
        %get3A_492 = arith.constant 64 : index
        %get3A_493 = tpu.vector_load %arg9[%get3A_490, %get3A_491, %get3A_492] {strides = array<i32>} : memref<2x64x128xf32, #tpu.memory_space<vmem>>, vector<1x1x16xf32>,
        %get3A_494 = vector.shape_cast %get3A_493 : vector<1x1x16xf32> to vector<16xf32>
        %mul3A_495 = arith.mulf %get3A_397, %get3A_494 : vector<16xf32>
        %get3A_496 = arith.constant 1 : i32
        %get3A_497 = arith.index_cast %get3A_496 : i32 to index
        %get3A_498 = arith.index_cast %scan3A_391 : i32 to index
        %get3A_499 = arith.constant 64 : index
        %get3A_500 = tpu.vector_load %arg10[%get3A_497, %get3A_498, %get3A_499] {strides = array<i32>} : memref<2x64x128xf32, #tpu.memory_space<vmem>>, vector<1x1x16xf32>,
        %get3A_501 = vector.shape_cast %get3A_500 : vector<1x1x16xf32> to vector<16xf32>
        %mul3A_502 = arith.mulf %get3A_401, %get3A_501 : vector<16xf32>
        %add3A_503 = arith.addf %mul3A_495, %mul3A_502 : vector<16xf32>
        %swap3A_504 = arith.constant 1 : i32
        %swap3A_505 = arith.index_cast %swap3A_504 : i32 to index
        %swap3A_506 = arith.index_cast %scan3A_391 : i32 to index
        %swap3A_507 = arith.constant 64 : index
        %swap3A_508 = tpu.vector_load %arg11[%swap3A_505, %swap3A_506, %swap3A_507] {strides = array<i32>} : memref<2x64x128xf32, #tpu.memory_space<vmem>>, vector<1x1x16xf32>,
        %swap3A_509 = vector.shape_cast %swap3A_508 : vector<1x1x16xf32> to vector<16xf32>
        %swap3A_510 = vector.shape_cast %add3A_503 : vector<16xf32> to vector<1x1x16xf32>
        tpu.vector_store %arg11[%swap3A_505, %swap3A_506, %swap3A_507], %swap3A_510 {strides = array<i32>} : memref<2x64x128xf32, #tpu.memory_space<vmem>>, vector<1x1x16xf32>,
        %get3A_511 = arith.constant 1 : i32
        %get3A_512 = arith.index_cast %get3A_511 : i32 to index
        %get3A_513 = arith.index_cast %scan3A_391 : i32 to index
        %get3A_514 = arith.constant 80 : index
        %get3A_515 = tpu.vector_load %arg9[%get3A_512, %get3A_513, %get3A_514] {strides = array<i32>} : memref<2x64x128xf32, #tpu.memory_space<vmem>>, vector<1x1x16xf32>,
        %get3A_516 = vector.shape_cast %get3A_515 : vector<1x1x16xf32> to vector<16xf32>
        %mul3A_517 = arith.mulf %get3A_397, %get3A_516 : vector<16xf32>
        %get3A_518 = arith.constant 1 : i32
        %get3A_519 = arith.index_cast %get3A_518 : i32 to index
        %get3A_520 = arith.index_cast %scan3A_391 : i32 to index
        %get3A_521 = arith.constant 80 : index
        %get3A_522 = tpu.vector_load %arg10[%get3A_519, %get3A_520, %get3A_521] {strides = array<i32>} : memref<2x64x128xf32, #tpu.memory_space<vmem>>, vector<1x1x16xf32>,
        %get3A_523 = vector.shape_cast %get3A_522 : vector<1x1x16xf32> to vector<16xf32>
        %mul3A_524 = arith.mulf %get3A_401, %get3A_523 : vector<16xf32>
        %add3A_525 = arith.addf %mul3A_517, %mul3A_524 : vector<16xf32>
        %swap3A_526 = arith.constant 1 : i32
        %swap3A_527 = arith.index_cast %swap3A_526 : i32 to index
        %swap3A_528 = arith.index_cast %scan3A_391 : i32 to index
        %swap3A_529 = arith.constant 80 : index
        %swap3A_530 = tpu.vector_load %arg11[%swap3A_527, %swap3A_528, %swap3A_529] {strides = array<i32>} : memref<2x64x128xf32, #tpu.memory_space<vmem>>, vector<1x1x16xf32>,
        %swap3A_531 = vector.shape_cast %swap3A_530 : vector<1x1x16xf32> to vector<16xf32>
        %swap3A_532 = vector.shape_cast %add3A_525 : vector<16xf32> to vector<1x1x16xf32>
        tpu.vector_store %arg11[%swap3A_527, %swap3A_528, %swap3A_529], %swap3A_532 {strides = array<i32>} : memref<2x64x128xf32, #tpu.memory_space<vmem>>, vector<1x1x16xf32>,
        %get3A_533 = arith.constant 1 : i32
        %get3A_534 = arith.index_cast %get3A_533 : i32 to index
        %get3A_535 = arith.index_cast %scan3A_391 : i32 to index
        %get3A_536 = arith.constant 96 : index
        %get3A_537 = tpu.vector_load %arg9[%get3A_534, %get3A_535, %get3A_536] {strides = array<i32>} : memref<2x64x128xf32, #tpu.memory_space<vmem>>, vector<1x1x16xf32>,
        %get3A_538 = vector.shape_cast %get3A_537 : vector<1x1x16xf32> to vector<16xf32>
        %mul3A_539 = arith.mulf %get3A_397, %get3A_538 : vector<16xf32>
        %get3A_540 = arith.constant 1 : i32
        %get3A_541 = arith.index_cast %get3A_540 : i32 to index
        %get3A_542 = arith.index_cast %scan3A_391 : i32 to index
        %get3A_543 = arith.constant 96 : index
        %get3A_544 = tpu.vector_load %arg10[%get3A_541, %get3A_542, %get3A_543] {strides = array<i32>} : memref<2x64x128xf32, #tpu.memory_space<vmem>>, vector<1x1x16xf32>,
        %get3A_545 = vector.shape_cast %get3A_544 : vector<1x1x16xf32> to vector<16xf32>
        %mul3A_546 = arith.mulf %get3A_401, %get3A_545 : vector<16xf32>
        %add3A_547 = arith.addf %mul3A_539, %mul3A_546 : vector<16xf32>
        %swap3A_548 = arith.constant 1 : i32
        %swap3A_549 = arith.index_cast %swap3A_548 : i32 to index
        %swap3A_550 = arith.index_cast %scan3A_391 : i32 to index
        %swap3A_551 = arith.constant 96 : index
        %swap3A_552 = tpu.vector_load %arg11[%swap3A_549, %swap3A_550, %swap3A_551] {strides = array<i32>} : memref<2x64x128xf32, #tpu.memory_space<vmem>>, vector<1x1x16xf32>,
        %swap3A_553 = vector.shape_cast %swap3A_552 : vector<1x1x16xf32> to vector<16xf32>
        %swap3A_554 = vector.shape_cast %add3A_547 : vector<16xf32> to vector<1x1x16xf32>
        tpu.vector_store %arg11[%swap3A_549, %swap3A_550, %swap3A_551], %swap3A_554 {strides = array<i32>} : memref<2x64x128xf32, #tpu.memory_space<vmem>>, vector<1x1x16xf32>,
        %get3A_555 = arith.constant 1 : i32
        %get3A_556 = arith.index_cast %get3A_555 : i32 to index
        %get3A_557 = arith.index_cast %scan3A_391 : i32 to index
        %get3A_558 = arith.constant 112 : index
        %get3A_559 = tpu.vector_load %arg9[%get3A_556, %get3A_557, %get3A_558] {strides = array<i32>} : memref<2x64x128xf32, #tpu.memory_space<vmem>>, vector<1x1x16xf32>,
        %get3A_560 = vector.shape_cast %get3A_559 : vector<1x1x16xf32> to vector<16xf32>
        %mul3A_561 = arith.mulf %get3A_397, %get3A_560 : vector<16xf32>
        %get3A_562 = arith.constant 1 : i32
        %get3A_563 = arith.index_cast %get3A_562 : i32 to index
        %get3A_564 = arith.index_cast %scan3A_391 : i32 to index
        %get3A_565 = arith.constant 112 : index
        %get3A_566 = tpu.vector_load %arg10[%get3A_563, %get3A_564, %get3A_565] {strides = array<i32>} : memref<2x64x128xf32, #tpu.memory_space<vmem>>, vector<1x1x16xf32>,
        %get3A_567 = vector.shape_cast %get3A_566 : vector<1x1x16xf32> to vector<16xf32>
        %mul3A_568 = arith.mulf %get3A_401, %get3A_567 : vector<16xf32>
        %add3A_569 = arith.addf %mul3A_561, %mul3A_568 : vector<16xf32>
        %swap3A_570 = arith.constant 1 : i32
        %swap3A_571 = arith.index_cast %swap3A_570 : i32 to index
        %swap3A_572 = arith.index_cast %scan3A_391 : i32 to index
        %swap3A_573 = arith.constant 112 : index
        %swap3A_574 = tpu.vector_load %arg11[%swap3A_571, %swap3A_572, %swap3A_573] {strides = array<i32>} : memref<2x64x128xf32, #tpu.memory_space<vmem>>, vector<1x1x16xf32>,
        %swap3A_575 = vector.shape_cast %swap3A_574 : vector<1x1x16xf32> to vector<16xf32>
        %swap3A_576 = vector.shape_cast %add3A_569 : vector<16xf32> to vector<1x1x16xf32>
        tpu.vector_store %arg11[%swap3A_571, %swap3A_572, %swap3A_573], %swap3A_576 {strides = array<i32>} : memref<2x64x128xf32, #tpu.memory_space<vmem>>, vector<1x1x16xf32>,
      }
      %scan3A_367 = arith.constant 64 : i32
      %mul3A_368 = arith.constant 64 : i32
      %mul3A_369 = arith.muli %add3A_327, %mul3A_368 : i32
      %add3A_370 = arith.addi %mul3A_2, %mul3A_369 : i32
      %dma_start3A_371 = arith.constant 1 : i32
      %dma_start3A_372 = arith.constant 0 : i32
      %dma_start3A_373 = arith.constant 0 : i32
      %dma_start3A_374 = tpu.memref_slice %arg11[%dma_start3A_371, %dma_start3A_372, %dma_start3A_373] : memref<2x64x128xf32, #tpu.memory_space<vmem>> -> memref<1x64x128xf32, #tpu.memory_space<vmem>>
      %dma_start3A_375 = tpu.memref_squeeze %dma_start3A_374 : memref<1x64x128xf32, #tpu.memory_space<vmem>> -> memref<64x128xf32, #tpu.memory_space<vmem>>
      %dma_start3A_376 = arith.constant 0 : i32
      %dma_start3A_377 = tpu.memref_slice %arg6[%add3A_370, %dma_start3A_376] : memref<16384x128xf32, #tpu.memory_space<hbm>> -> memref<64x128xf32, #tpu.memory_space<hbm>>
      %dma_start3A_378 = arith.constant 0 : i32
      %dma_start3A_379 = tpu.memref_slice %arg6[%add3A_370, %dma_start3A_378] : memref<16384x128xf32, #tpu.memory_space<hbm>> -> memref<64x128xf32, #tpu.memory_space<hbm>>
      %dma_start3A_380 = arith.constant 0 : i32
      %dma_start3A_381 = arith.constant 0 : i32
      %dma_start3A_382 = tpu.memref_slice %arg11[%dma_start3A_371, %dma_start3A_380, %dma_start3A_381] : memref<2x64x128xf32, #tpu.memory_space<vmem>> -> memref<1x64x128xf32, #tpu.memory_space<vmem>>
      %dma_start3A_383 = tpu.memref_squeeze %dma_start3A_382 : memref<1x64x128xf32, #tpu.memory_space<vmem>> -> memref<64x128xf32, #tpu.memory_space<vmem>>
      tpu.enqueue_dma source(%dma_start3A_383 : memref<64x128xf32, #tpu.memory_space<vmem>>) target(%dma_start3A_379 : memref<64x128xf32, #tpu.memory_space<hbm>>) target_semaphore(%arg15 : memref<!tpu.dma_semaphore, #tpu.memory_space<semaphore_mem>>)
      %add3A_384 = arith.constant 2 : i32
      %add3A_385 = arith.addi %add3A_327, %add3A_384 : i32
      %lt3A_386 = arith.constant 8 : i32
      %lt3A_387 = arith.cmpi slt, %add3A_385, %lt3A_386 : i32
      %convert_element_type3A_388 = arith.extui %lt3A_387 : i1 to i32
      %cond3A_389 = arith.constant 0 : i32
      %cond3A_390 = arith.cmpi ne, %convert_element_type3A_388, %cond3A_389 : i32
      scf.if %cond3A_390 {
        %add3A_391 = arith.constant 2 : i32
        %add3A_392 = arith.addi %add3A_327, %add3A_391 : i32
        %mul3A_393 = arith.constant 64 : i32
        %mul3A_394 = arith.muli %add3A_392, %mul3A_393 : i32
        %add3A_395 = arith.addi %mul3A_2, %mul3A_394 : i32
        %dma_start3A_396 = arith.constant 1 : i32
        %dma_start3A_397 = arith.constant 0 : i32
        %dma_start3A_398 = arith.constant 0 : i32
        %dma_start3A_399 = tpu.memref_slice %arg9[%dma_start3A_396, %dma_start3A_397, %dma_start3A_398] : memref<2x64x128xf32, #tpu.memory_space<vmem>> -> memref<1x64x128xf32, #tpu.memory_space<vmem>>
        %dma_start3A_400 = tpu.memref_squeeze %dma_start3A_399 : memref<1x64x128xf32, #tpu.memory_space<vmem>> -> memref<64x128xf32, #tpu.memory_space<vmem>>
        %dma_start3A_401 = arith.constant 0 : i32
        %dma_start3A_402 = tpu.memref_slice %arg4[%add3A_395, %dma_start3A_401] : memref<16384x128xf32, #tpu.memory_space<hbm>> -> memref<64x128xf32, #tpu.memory_space<hbm>>
        %dma_start3A_403 = arith.constant 0 : i32
        %dma_start3A_404 = arith.constant 0 : i32
        %dma_start3A_405 = tpu.memref_slice %arg9[%dma_start3A_396, %dma_start3A_403, %dma_start3A_404] : memref<2x64x128xf32, #tpu.memory_space<vmem>> -> memref<1x64x128xf32, #tpu.memory_space<vmem>>
        %dma_start3A_406 = tpu.memref_squeeze %dma_start3A_405 : memref<1x64x128xf32, #tpu.memory_space<vmem>> -> memref<64x128xf32, #tpu.memory_space<vmem>>
        %dma_start3A_407 = arith.constant 0 : i32
        %dma_start3A_408 = tpu.memref_slice %arg4[%add3A_395, %dma_start3A_407] : memref<16384x128xf32, #tpu.memory_space<hbm>> -> memref<64x128xf32, #tpu.memory_space<hbm>>
        tpu.enqueue_dma source(%dma_start3A_408 : memref<64x128xf32, #tpu.memory_space<hbm>>) target(%dma_start3A_406 : memref<64x128xf32, #tpu.memory_space<vmem>>) target_semaphore(%arg13 : memref<!tpu.dma_semaphore, #tpu.memory_space<semaphore_mem>>)
        %dma_start3A_409 = arith.constant 1 : i32
        %dma_start3A_410 = arith.constant 0 : i32
        %dma_start3A_411 = arith.constant 0 : i32
        %dma_start3A_412 = tpu.memref_slice %arg10[%dma_start3A_409, %dma_start3A_410, %dma_start3A_411] : memref<2x64x128xf32, #tpu.memory_space<vmem>> -> memref<1x64x128xf32, #tpu.memory_space<vmem>>
        %dma_start3A_413 = tpu.memref_squeeze %dma_start3A_412 : memref<1x64x128xf32, #tpu.memory_space<vmem>> -> memref<64x128xf32, #tpu.memory_space<vmem>>
        %dma_start3A_414 = arith.constant 0 : i32
        %dma_start3A_415 = tpu.memref_slice %arg5[%add3A_395, %dma_start3A_414] : memref<16384x128xf32, #tpu.memory_space<hbm>> -> memref<64x128xf32, #tpu.memory_space<hbm>>
        %dma_start3A_416 = arith.constant 0 : i32
        %dma_start3A_417 = arith.constant 0 : i32
        %dma_start3A_418 = tpu.memref_slice %arg10[%dma_start3A_409, %dma_start3A_416, %dma_start3A_417] : memref<2x64x128xf32, #tpu.memory_space<vmem>> -> memref<1x64x128xf32, #tpu.memory_space<vmem>>
        %dma_start3A_419 = tpu.memref_squeeze %dma_start3A_418 : memref<1x64x128xf32, #tpu.memory_space<vmem>> -> memref<64x128xf32, #tpu.memory_space<vmem>>
        %dma_start3A_420 = arith.constant 0 : i32
        %dma_start3A_421 = tpu.memref_slice %arg5[%add3A_395, %dma_start3A_420] : memref<16384x128xf32, #tpu.memory_space<hbm>> -> memref<64x128xf32, #tpu.memory_space<hbm>>
        tpu.enqueue_dma source(%dma_start3A_421 : memref<64x128xf32, #tpu.memory_space<hbm>>) target(%dma_start3A_419 : memref<64x128xf32, #tpu.memory_space<vmem>>) target_semaphore(%arg14 : memref<!tpu.dma_semaphore, #tpu.memory_space<semaphore_mem>>)
      } else {
      }
    }
    %scan3A_229 = arith.constant 4 : i32
    %add3A_230 = arith.constant 384 : i32
    %add3A_231 = arith.addi %mul3A_2, %add3A_230 : i32
    %dma_wait3A_232 = arith.constant 0 : i32
    %dma_wait3A_233 = arith.constant 0 : i32
    %dma_wait3A_234 = arith.constant 0 : i32
    %dma_wait3A_235 = tpu.memref_slice %arg11[%dma_wait3A_232, %dma_wait3A_233, %dma_wait3A_234] : memref<2x64x128xf32, #tpu.memory_space<vmem>> -> memref<1x64x128xf32, #tpu.memory_space<vmem>>
    %dma_wait3A_236 = tpu.memref_squeeze %dma_wait3A_235 : memref<1x64x128xf32, #tpu.memory_space<vmem>> -> memref<64x128xf32, #tpu.memory_space<vmem>>
    %dma_wait3A_237 = arith.constant 0 : i32
    %dma_wait3A_238 = tpu.memref_slice %arg6[%add3A_231, %dma_wait3A_237] : memref<16384x128xf32, #tpu.memory_space<hbm>> -> memref<64x128xf32, #tpu.memory_space<hbm>>
    %dma_wait3A_239 = arith.constant 0 : i32
    %dma_wait3A_240 = tpu.memref_slice %arg6[%add3A_231, %dma_wait3A_239] : memref<16384x128xf32, #tpu.memory_space<hbm>> -> memref<64x128xf32, #tpu.memory_space<hbm>>
    %dma_wait3A_241 = arith.constant 0 : i32
    %dma_wait3A_242 = arith.constant 0 : i32
    %dma_wait3A_243 = tpu.memref_slice %arg11[%dma_wait3A_232, %dma_wait3A_241, %dma_wait3A_242] : memref<2x64x128xf32, #tpu.memory_space<vmem>> -> memref<1x64x128xf32, #tpu.memory_space<vmem>>
    %dma_wait3A_244 = tpu.memref_squeeze %dma_wait3A_243 : memref<1x64x128xf32, #tpu.memory_space<vmem>> -> memref<64x128xf32, #tpu.memory_space<vmem>>
    tpu.wait_dma2 semaphore(%arg15 : memref<!tpu.dma_semaphore, #tpu.memory_space<semaphore_mem>>) src(%dma_wait3A_244 : memref<64x128xf32, #tpu.memory_space<vmem>>) dst(%dma_wait3A_240 : memref<64x128xf32, #tpu.memory_space<hbm>>)
    %add3A_245 = arith.constant 448 : i32
    %add3A_246 = arith.addi %mul3A_2, %add3A_245 : i32
    %dma_wait3A_247 = arith.constant 1 : i32
    %dma_wait3A_248 = arith.constant 0 : i32
    %dma_wait3A_249 = arith.constant 0 : i32
    %dma_wait3A_250 = tpu.memref_slice %arg11[%dma_wait3A_247, %dma_wait3A_248, %dma_wait3A_249] : memref<2x64x128xf32, #tpu.memory_space<vmem>> -> memref<1x64x128xf32, #tpu.memory_space<vmem>>
    %dma_wait3A_251 = tpu.memref_squeeze %dma_wait3A_250 : memref<1x64x128xf32, #tpu.memory_space<vmem>> -> memref<64x128xf32, #tpu.memory_space<vmem>>
    %dma_wait3A_252 = arith.constant 0 : i32
    %dma_wait3A_253 = tpu.memref_slice %arg6[%add3A_246, %dma_wait3A_252] : memref<16384x128xf32, #tpu.memory_space<hbm>> -> memref<64x128xf32, #tpu.memory_space<hbm>>
    %dma_wait3A_254 = arith.constant 0 : i32
    %dma_wait3A_255 = tpu.memref_slice %arg6[%add3A_246, %dma_wait3A_254] : memref<16384x128xf32, #tpu.memory_space<hbm>> -> memref<64x128xf32, #tpu.memory_space<hbm>>
    %dma_wait3A_256 = arith.constant 0 : i32
    %dma_wait3A_257 = arith.constant 0 : i32
    %dma_wait3A_258 = tpu.memref_slice %arg11[%dma_wait3A_247, %dma_wait3A_256, %dma_wait3A_257] : memref<2x64x128xf32, #tpu.memory_space<vmem>> -> memref<1x64x128xf32, #tpu.memory_space<vmem>>
    %dma_wait3A_259 = tpu.memref_squeeze %dma_wait3A_258 : memref<1x64x128xf32, #tpu.memory_space<vmem>> -> memref<64x128xf32, #tpu.memory_space<vmem>>
    tpu.wait_dma2 semaphore(%arg15 : memref<!tpu.dma_semaphore, #tpu.memory_space<semaphore_mem>>) src(%dma_wait3A_259 : memref<64x128xf32, #tpu.memory_space<vmem>>) dst(%dma_wait3A_255 : memref<64x128xf32, #tpu.memory_space<hbm>>)
    return
  }
}

</mosaic_0001>

<sc_bundles>
// kernel: kernel.3.cloned.1.call-start
scs
__scs_entry_jumppad:
0x0: {  	(pc) =	sbr.rel $0x88, $3  }
0x1: {  	(tag) =	ssettag $0x0;
	lr =	simm.s32 $0x1  }
0x2: {  	[smem:$0x3F9E] =	sst lr;
	_ =	strace $0xD0000000  }
0x3: {  	_ = 	snop  }
0x4: {  	_ = 	snop  }
0x5: {  	_ = 	snop  }
0x6: {  	_ = 	snop  }
0x7: {  	_ = 	snop  }
__scs_overlays_trampoline_lowered:
0x8: {  	[smem:$0x3FAD] =	sst s0  }
0x9: {  	[smem:$0x3FAE] =	sst s1  }
0xa: {  	[smem:$0x3FAF] =	sst s2  }
0xb: {  	[smem:$0x3FB0] =	sst s3  }
0xc: {  	[smem:$0x3FB1] =	sst s4  }
0xd: {  	[smem:$0x3FB2] =	sst s5  }
0xe: {  	[smem:$0x3FB3] =	sst s6  }
0xf: {  	[smem:$0x3FB4] =	sst s7  }
0x10: {  	[smem:$0x3FB5] =	sst s8  }
0x11: {  	[smem:$0x3FB6] =	sst s9;
	s0 =	simm.s32 @!p0 $0x0  }
0x12: {  	s1 =	sld [smem:$0x3F9C];
	s0 =	simm.s32 @p0 $0x1  }
0x13: {  	[smem:$0x3FB7] =	sst s0;
	s0 =	simm.s32 @!p1 $0x0  }
0x14: {  	s2 =	sld [smem:$0x3F9B];
	s0 =	simm.s32 @p1 $0x1  }
0x15: {  	[smem:$0x3FB8] =	sst s0;
	s0 =	simm.s32 @!p2 $0x0  }
0x16: {  	s3 =	sld [smem:$0x3FDB];
	s0 =	simm.s32 @p2 $0x1  }
0x17: {  	s4 =	simm.s32 $0x1BF5;
	[smem:$0x3FBA] =	sst s0  }
0x18: {  	s0 =	sld [smem:$0x3F9D];
	_ =	swait.ge [sflag:s4], $0x0  }
0x19: {  	s7 =	sld [smem:$0x3F9E]  }
0x1a: {  	s8 =	sadd.s32 $0xFFFFE003, lr  }
0x1b: {  	s9 =	sadd.s32 $0xFFFFFEF7, lr;
	s5 =	simm.s32 $0xFFFFFFFF;
	p2 =	slt.u32 s8, $0xFFFFF086  }
0x1c: {  	p1 =	slt.u32 s9, $0xF7A;
	s5 =	simm.s32 @!p2 $0x0  }
0x1d: {  	s5 =	simm.s32 @p1 $0x1;
	p0 =	seq.s32 s7, s2  }
0x1e: {  	s7 =	smul.u32 @!p0 $0xF7A, s2;
	p2 =	seq.s32 @!p0 s5, $0x0  }
0x1f: {  	s9 =	smul.u32 $0xF7A, s1;
	s8 =	simm.s32 @!p0 $0x1BF5;
	p2 =	por !p2, p0  }
0x20: {  	[sflag:s8] =	ssyncset.s32 @!p0 $0xFFFFF086;
	s6 =	sadd.s32 @!p0 s3, s7;
	s7 =	simm.s32 @!p0 $0x108  }
0x21: {  	s3 =	sadd.s32 s3, s9;
	s6 =	sadd.s32 @!p0 $0x88, s6;
	s7 =	simm.s32 @p2 $0x1082  }
0x22: {  	[simem:s7], [sflag:s8] =	dma.local @!p0 [hbm:s6], $0xF7A  }
0x23: {  	s9 =	sor.u32 $0xD0000000, s2;
	s6 =	simm.s32 $0x108;
	_ =	swait.ge @!p0 [sflag:s8], $0x0  }
0x24: {  	s3 =	sadd.s32 $0x88, s3;
	s6 =	simm.s32 @!p1 $0x1082;
	[sflag:s4] =	ssyncset.s32 $0xFFFFF086  }
0x25: {  	[simem:s6], [sflag:s4] =	dma.local [hbm:s3], $0xF7A  }
0x26: {  	[smem:$0x3F9E] =	sst s1;
	(tag) =	ssettag s2;
	_ =	strace s9  }
0x27: {  	s1 =	sld [smem:$0x3FAE]  }
0x28: {  	s2 =	sld [smem:$0x3FAF]  }
0x29: {  	s4 =	sld [smem:$0x3FB1]  }
0x2a: {  	p0 =	seq.s32 s5, $0x0;
	s5 =	sld [smem:$0x3FB2]  }
0x2b: {  	s6 =	sld [smem:$0x3FB3]  }
0x2c: {  	s7 =	sld [smem:$0x3FB4]  }
0x2d: {  	s3 =	simm.s32 $0x108;
	s8 =	sld [smem:$0x3FB5]  }
0x2e: {  	s3 =	simm.s32 @!p0 $0x1082;
	s9 =	sld [smem:$0x3FB6]  }
0x2f: {  	lr =	sadd.s32 s0, s3;
	s0 =	sld [smem:$0x3FAD]  }
0x30: {  	s3 =	sld [smem:$0x3FB0]  }
0x31: {  	[smem:$0x3FB9] =	sst s10  }
0x32: {  	s10 =	sld [smem:$0x3FB7];
	_ =	sdelay $0x3  }
0x33: {  	p0 =	seq.s32 s10, $0x1;
	s10 =	sld [smem:$0x3FB9];
	_ =	sdelay $0x3  }
0x34: {  	[smem:$0x3FB9] =	sst s10  }
0x35: {  	s10 =	sld [smem:$0x3FB8];
	_ =	sdelay $0x3  }
0x36: {  	p1 =	seq.s32 s10, $0x1;
	s10 =	sld [smem:$0x3FB9];
	_ =	sdelay $0x3  }
0x37: {  	[smem:$0x3FB9] =	sst s10  }
0x38: {  	s10 =	sld [smem:$0x3FBA]  }
0x39: {  	_ = 	snop;
	(pc) =	sbr.ind lr, $3  }
0x3a: {  	_ = 	snop  }
0x3b: {  	_ = 	snop  }
0x3c: {  	p2 =	seq.s32 s10, $0x1;
	s10 =	sld [smem:$0x3FB9]  }
0x3d: {  	_ =	shalt  }
0x3e: {  	_ =	shalt  }
0x3f: {  	_ =	shalt  }
0x40: {  	_ =	shalt  }
0x41: {  	_ =	shalt  }
0x42: {  	_ =	shalt  }
0x43: {  	_ =	shalt  }
0x44: {  	_ =	shalt  }
0x45: {  	_ =	shalt  }
0x46: {  	_ =	shalt  }
0x47: {  	_ =	shalt  }
0x48: {  	_ =	shalt  }
0x49: {  	_ =	shalt  }
0x4a: {  	_ =	shalt  }
0x4b: {  	_ =	shalt  }
0x4c: {  	_ =	shalt  }
0x4d: {  	_ =	shalt  }
0x4e: {  	_ =	shalt  }
0x4f: {  	_ =	shalt  }
0x50: {  	_ =	shalt  }
0x51: {  	_ =	shalt  }
0x52: {  	_ =	shalt  }
0x53: {  	_ =	shalt  }
0x54: {  	_ =	shalt  }
0x55: {  	_ =	shalt  }
0x56: {  	_ =	shalt  }
0x57: {  	_ =	shalt  }
0x58: {  	_ =	shalt  }
0x59: {  	_ =	shalt  }
0x5a: {  	_ =	shalt  }
0x5b: {  	_ =	shalt  }
0x5c: {  	_ =	shalt  }
0x5d: {  	_ =	shalt  }
0x5e: {  	_ =	shalt  }
0x5f: {  	_ =	shalt  }
0x60: {  	_ =	shalt  }
0x61: {  	_ =	shalt  }
0x62: {  	_ =	shalt  }
0x63: {  	_ =	shalt  }
0x64: {  	_ =	shalt  }
0x65: {  	_ =	shalt  }
0x66: {  	_ =	shalt  }
0x67: {  	_ =	shalt  }
0x68: {  	_ =	shalt  }
0x69: {  	_ =	shalt  }
0x6a: {  	_ =	shalt  }
0x6b: {  	_ =	shalt  }
0x6c: {  	_ =	shalt  }
0x6d: {  	_ =	shalt  }
0x6e: {  	_ =	shalt  }
0x6f: {  	_ =	shalt  }
0x70: {  	_ =	shalt  }
0x71: {  	_ =	shalt  }
0x72: {  	_ =	shalt  }
0x73: {  	_ =	shalt  }
0x74: {  	_ =	shalt  }
0x75: {  	_ =	shalt  }
0x76: {  	_ =	shalt  }
0x77: {  	_ =	shalt  }
0x78: {  	_ =	shalt  }
0x79: {  	_ =	shalt  }
0x7a: {  	_ =	shalt  }
0x7b: {  	_ =	shalt  }
0x7c: {  	_ =	shalt  }
0x7d: {  	_ =	shalt  }
0x7e: {  	_ =	shalt  }
0x7f: {  	_ =	shalt  }
0x80: {  	_ =	shalt  }
0x81: {  	_ =	shalt  }
0x82: {  	_ =	shalt  }
0x83: {  	_ =	shalt  }
0x84: {  	_ =	shalt  }
0x85: {  	_ =	shalt  }
0x86: {  	_ =	shalt  }
0x87: {  	_ =	shalt  }
.Lfunc_end0:
.L_simem_size_0:
called_computation_lowered:
.L_overlay_start_0:
0x88: {  	s2 =	sld [smem:$0x3FD9]  }
0x89: {  	s3 =	sld [smem:$0x3FFE];
	_ =	sdelay $0x1  }
0x8a: {  	s1 =	srdreg.scid  }
0x8b: {  	s0 =	sand.u32 $0x1, s1  }
0x8c: {  	s17 =	sshll.u32 s0, $0xA;
	s2 =	sadd.s32 s3, s2  }
0x8d: {  	s2 =	sadd.s32 s2, s17  }
0x8e: {  	[smem:$0x3FC5] =	sst s2  }
0x8f: {  	_ = 	snop  }
0x90: {  	s2 =	sld [smem:$0x3FC9]  }
0x91: {  	s18 =	sld [smem:$0x3FC8]  }
0x92: {  	s4 =	sld [smem:$0x3FC7]  }
0x93: {  	s5 =	sld [smem:$0x3FD0];
	(tm) =	ssettm $0x1  }
0x94: {  	s6 =	sld [smem:$0x3FFB];
	_ =	sdelay $0x3  }
0x95: {  	_ =	strace s6  }
0x96: {  	s6 =	sld [smem:$0x3FFC];
	_ =	sdelay $0x3  }
0x97: {  	_ =	strace s6  }
0x98: {  	s6 =	sld [smem:$0x3FFD];
	_ =	sdelay $0x3  }
0x99: {  	_ =	strace s6  }
0x9a: {  	_ =	strace $0x8FFFFFFF  }
0x9b: {  	s19 =	sld [smem:$0x3FDB];
	_ =	sdelay $0x1  }
0x9c: {  	s7 =	simm.s32 $_scs_section_size  }
0x9d: {  	s8 =	simm.s32 $_size__tile_overlayer_lowered;
	s9 =	simm.s32 $_tile_overlayer_lowered  }
0x9e: {  	s22 =	simm.s32 $0x1BFF;
	s21 =	sshll.u32 s9, $0x1;
	s6 =	sadd.s32 s7, s19  }
0x9f: {  	s10 =	simm.s32 $0x0;
	s20 =	sshll.u32 s8, $0x1;
	s8 =	sadd.s32 s21, s6  }
0xa0: {  	[timem:s10], [sflag:s22] =	dma.local [hbm:s8], s20  }
0xa1: {  	_ =	swait.ge [sflag:s22], s20  }
0xa2: {  	s7 =	ssub.s32 $0x0, s20;
	[sflag:s22] =	ssyncset.done $0x0  }
0xa3: {  	[sflag:s22] =	ssyncadd.s32 s7;
	_ =	sdelay $0x1  }
0xa4: {  	s23 =	simm.s32 $0x1B8B  }
0xa5: {  	_ =	swait.ge [sflag:s23], $0x1  }
0xa6: {  	[sflag:s23] =	ssyncset.done $0x0  }
0xa7: {  	s25 =	simm.s32 $0x1B8E;
	s24 =	sld [smem:$0x3FFE];
	[sflag:s23] =	ssyncadd.s32 $0xFFFFFFFF  }
0xa8: {  	s26 =	simm.s32 $execute0_lowered;
	[smem:$0x3FD2] =	sst s25  }
0xa9: {  	s8 =	sshll.u32 s26, $0x1;
	_ =	strace $0x80000046;
	[dreg:$0x1] =	wrdreg $0xFFFFFFFF  }
0xaa: {  	s28 =	simm.s32 $_size_execute0_lowered;
	s6 =	sadd.s32 s6, s8;
	[dreg:$0x0] =	wrdreg $0x0  }
0xab: {  	s8 =	sshll.u32 s28, $0x1;
	[dreg:$0x2] =	wrdreg s6  }
0xac: {  	[dreg:$0x3] =	wrdreg s8  }
0xad: {  	[dreg:$0x4] =	wrdreg $0xC0  }
0xae: {  	_ =	task [dreg:s10], $0x5FFFF  }
0xaf: {  	[dreg:$0x1] =	wrdreg $0xFFFFFFFF  }
0xb0: {  	[dreg:$0x0] =	wrdreg $0x60  }
0xb1: {  	[dreg:$0x2] =	wrdreg s24  }
0xb2: {  	[dreg:$0x3] =	wrdreg s18  }
0xb3: {  	[dreg:$0x4] =	wrdreg s2  }
0xb4: {  	[dreg:$0x5] =	wrdreg s4  }
0xb5: {  	[dreg:$0x6] =	wrdreg s5  }
0xb6: {  	[dreg:$0x7] =	wrdreg $0x9  }
0xb7: {  	_ =	task.clear_ibuf [dreg:s10], $0x8FFFF;
	_ =	strace $0x90000046  }
0xb8: {  	s29 =	simm.s32 $0x9;
	_ =	strace $0x80000048  }
0xb9: {  	_ =	swait.ge [sflag:s29], $0x1  }
0xba: {  	[sflag:s29] =	ssyncadd.s32 $0xFFFFFFFF  }
0xbb: {  	_ =	strace $0x90000048  }
0xbc: {  	_ =	sfence  }
0xbd: {  	s30 =	sld [smem:$0x0];
	_ =	sdelay $0x2  }
0xbe: {  	s31 =	sshll.u32 s1, $0xD;
	s1 =	sshrl.u32 s1, $0x2  }
0xbf: {  	s3 =	sand.u32 $0x4000, s31;
	s1 =	sadd.s32 s1, s30  }
0xc0: {  	s0 =	sor.u32 s3, s0;
	s1 =	sshll.u32 s1, $0x11  }
0xc1: {  	s0 =	sor.u32 s1, s0  }
0xc2: {  	s0 =	sadd.s32 $0x8F2B, s0  }
0xc3: {  	[sflag:s0] =	ssyncadd.remote.s32 $0x1  }
0xc4: {  	_ =	sfence.sel $0xFFFF  }
0xc5: {  	[dreg:$0x0] =	wrdreg $0xFFFFFFFF;
	(pc) =	sbr.abs _section_cstart, $3  }
0xc6: {  	[dreg:$0x1] =	wrdreg $0xFFFFFFFF  }
0xc7: {  	_ =	task.clear_ibuf [dreg:s10], $0x2FFFF;
	_ =	strace $0x9FFFFFFF  }
0xc8: {  	(tm) =	ssettm $0x7FFFFFFF  }
0xc9: {  	_ =	shalt  }
tec
execute0_lowered:
.L_overlay_start_1:
0x0: {  	(tag) =	ssettag $0x1  }
0x1: {  	s0 =	rddreg [dreg:$0x0]  }
0x2: {  	s2 =	rddreg [dreg:$0x1]  }
0x3: {  	s1 =	rddreg [dreg:$0x2]  }
0x4: {  	s3 =	rddreg [dreg:$0x3]  }
0x5: {  	s4 =	rddreg [dreg:$0x4];
	s5 =	srdreg.scid  }
0x6: {  	s7 =	stileid.u32;
	s19 =	simm.s32 $0xC200;
	s20 =	simm.s32 $0xE200  }
0x7: {  	s28 =	simm.s32 $0x4;
	s29 =	simm.s32 $0x0;
	s6 =	sand.u32 $0x1, s5  }
0x8: {  	s5 =	simm.s32 $0x0;
	s7 =	sshll.u32 s7, $0xA;
	s8 =	sshll.u32 s6, $0x9  }
0x9: {  	[smem:$0x7FF] =	sst s5;
	s9 =	ssub.s32 $0x2, s6;
	s6 =	sor.u32 s8, s7  }
0xa: {  	_ =	strace $0x80000047;
	s21 =	sshrl.u32 s9, $0x1;
	s7 =	sadd.s32 $0x400, s0  }
0xb: {  	s0 =	simm.s32 $0x2;
	s10 =	sshll.u32 s6, $0x4;
	s22 =	ssub.s32 s9, s21  }
0xc: {  	s26 =	sshrl.u32 s6, $0x3;
	s21 =	simm.s32 $0x6200;
	s23 =	sadd.s32 s1, s10  }
0xd: {  	s24 =	sadd.s32 s3, s10;
	s25 =	sor.u32 $0x400, s10;
	s12 =	sadd.s32 s2, s26  }
0xe: {  	s16 =	sor.u32 $0x800, s10;
	s17 =	sor.u32 $0xC00, s10;
	[dreg:$0x6] =	wrdreg s23  }
0xf: {  	s18 =	smax.u32 s22, $0x1;
	[dreg:$0x7] =	wrdreg s24;
	s11 =	sadd.s32 s1, s25  }
.Ltmp0:
0x10: {  	s8 =	sadd.s32 s3, s25;
	[dreg:$0x8] =	wrdreg s11;
	(pc) =	sbr.rel .LBB2_1-.Ltmp0, $4  }
0x11: {  	s22 =	simm.s32 $0xA200;
	s2 =	sadd.s32 $0x10, s12;
	[dreg:$0x9] =	wrdreg s8  }
0x12: {  	s26 =	simm.s32 $0x1;
	s30 =	sadd.s32 $0x20, s12;
	[dreg:$0xa] =	wrdreg s2  }
0x13: {  	s31 =	sadd.s32 $0x30, s12;
	s23 =	simm.s32 $0x80;
	[dreg:$0xb] =	wrdreg s30  }
0x14: {  	s25 =	simm.s32 $0x180;
	[dreg:$0xc] =	wrdreg s31;
	s2 =	simm.s32 $0x3  }
.LBB2_8:
0x15: {  	s29 =	sadd.s32 $0x1, s29  }
0x16: {  	_ =	swait.ge [sflag:s28], $0x2000;
	p0 =	sne.s32 s29, s18  }
.Ltmp1:
0x17: {  	[sflag:s28] =	ssyncset.done $0x0;
	(pc) =	sbr.rel @!p0 .LBB2_9-.Ltmp1, $4  }
0x18: {  	[sflag:s28] =	ssyncadd.s32 $0xFFFFE000  }
0x19: {  	_ =	swait.ge [sflag:s28], $0x2000  }
0x1a: {  	[sflag:s28] =	ssyncset.done $0x0  }
0x1b: {  	[sflag:s28] =	ssyncadd.s32 $0xFFFFE000  }
.LBB2_1:
0x1c: {  	s8 =	rddreg [dreg:$0x6];
	s9 =	simm.s32 $0x4200  }
0x1d: {  	[tilespmem:s9], [sflag:$0x2] =	stream.linear.gather [hbm4b:s8+s5], $0x2000, $0x38;
	[tilespmem:$0x10200] =	vst v63  }
0x1e: {  	s14 =	rddreg [dreg:$0x7];
	s15 =	simm.s32 $0x8200  }
0x1f: {  	[tilespmem:s15], [sflag:$0x3] =	stream.linear.gather [hbm4b:s14+s5], $0x2000, $0x38;
	[tilespmem:$0x10200] =	vst v63  }
0x20: {  	s24 =	rddreg [dreg:$0x8]  }
0x21: {  	[tilespmem:s21], [sflag:$0x2] =	stream.linear.gather [hbm4b:s24+s5], $0x2000, $0x38;
	[tilespmem:$0x10200] =	vst v63  }
0x22: {  	s30 =	rddreg [dreg:$0x9]  }
0x23: {  	[tilespmem:s22], [sflag:$0x3] =	stream.linear.gather [hbm4b:s30+s5], $0x2000, $0x38;
	[tilespmem:$0x10200] =	vst v63  }
0x24: {  	_ = 	snop  }
0x25: {  	[tilespmem:s5], [sflag:$0x1] =	stream.linear.gather [hbm4b:s12+s5], $0x80, $0x38;
	[tilespmem:$0x10200] =	vst v63  }
0x26: {  	s9 =	rddreg [dreg:$0xa]  }
0x27: {  	[tilespmem:s23], [sflag:$0x1] =	stream.linear.gather [hbm4b:s9+s5], $0x80, $0x38;
	[tilespmem:$0x10200] =	vst v63  }
0x28: {  	s10 =	rddreg [dreg:$0xb];
	s11 =	simm.s32 $0x100  }
0x29: {  	[tilespmem:s11], [sflag:$0x1] =	stream.linear.gather [hbm4b:s10+s5], $0x80, $0x38;
	[tilespmem:$0x10200] =	vst v63  }
0x2a: {  	s13 =	rddreg [dreg:$0xc]  }
0x2b: {  	[tilespmem:s25], [sflag:$0x1] =	stream.linear.gather [hbm4b:s13+s5], $0x80, $0x38;
	[tilespmem:$0x10200] =	vst v63  }
0x2c: {  	_ =	swait.ge [sflag:s26], $0x80  }
0x2d: {  	[sflag:s26] =	ssyncset.done $0x0  }
0x2e: {  	[sflag:s26] =	ssyncadd.s32 $0xFFFFFF80  }
0x2f: {  	_ =	swait.ge [sflag:s26], $0x80  }
0x30: {  	[sflag:s26] =	ssyncset.done $0x0  }
0x31: {  	[sflag:s26] =	ssyncadd.s32 $0xFFFFFF80  }
0x32: {  	_ =	swait.ge [sflag:s26], $0x80  }
0x33: {  	[sflag:s26] =	ssyncset.done $0x0  }
0x34: {  	[sflag:s26] =	ssyncadd.s32 $0xFFFFFF80  }
0x35: {  	_ =	swait.ge [sflag:s26], $0x80  }
0x36: {  	[sflag:s26] =	ssyncset.done $0x0  }
0x37: {  	s14 =	simm.s32 $0x200;
	[sflag:s26] =	ssyncadd.s32 $0xFFFFFF80  }
0x38: {  	[tilespmem:s14], [sflag:$0x1] =	stream.indirect.gather [hbm4b:s7+s23], $0x20, s5, s23, $0xb8;
	[tilespmem:$0x10200] =	vst v63  }
0x39: {  	s15 =	simm.s32 $0x1200  }
0x3a: {  	[tilespmem:s15], [sflag:$0x1] =	stream.indirect.gather [hbm4b:s7+s23], $0x20, s23, s23, $0xb8;
	[tilespmem:$0x10200] =	vst v63  }
0x3b: {  	s24 =	simm.s32 $0x2200  }
0x3c: {  	[tilespmem:s24], [sflag:$0x1] =	stream.indirect.gather [hbm4b:s7+s23], $0x20, s11, s23, $0xb8;
	[tilespmem:$0x10200] =	vst v63  }
0x3d: {  	s30 =	simm.s32 $0x3200  }
0x3e: {  	[tilespmem:s30], [sflag:$0x1] =	stream.indirect.gather [hbm4b:s7+s23], $0x20, s25, s23, $0xb8;
	[tilespmem:$0x10200] =	vst v63  }
0x3f: {  	_ =	swait.ge [sflag:s26], $0x1000  }
0x40: {  	[sflag:s26] =	ssyncset.done $0x0  }
0x41: {  	[sflag:s26] =	ssyncadd.s32 $0xFFFFF000  }
0x42: {  	_ =	swait.ge [sflag:s26], $0x1000  }
0x43: {  	[sflag:s26] =	ssyncset.done $0x0  }
0x44: {  	[sflag:s26] =	ssyncadd.s32 $0xFFFFF000  }
0x45: {  	_ =	swait.ge [sflag:s26], $0x1000  }
0x46: {  	[sflag:s26] =	ssyncset.done $0x0  }
0x47: {  	[sflag:s26] =	ssyncadd.s32 $0xFFFFF000  }
0x48: {  	_ =	swait.ge [sflag:s26], $0x1000  }
0x49: {  	s31 =	simm.s32 $0xA10;
	[sflag:s26] =	ssyncset.done $0x0  }
0x4a: {  	s8 =	simm.s32 $0x0;
	s14 =	simm.s32 $0x210;
	[sflag:s26] =	ssyncadd.s32 $0xFFFFF000  }
.LBB2_2:
0x4b: {  	_ =	swait.ge [sflag:s0], $0x2000  }
0x4c: {  	[sflag:s0] =	ssyncset.done $0x0  }
0x4d: {  	[sflag:s0] =	ssyncadd.s32 $0xFFFFE000  }
0x4e: {  	_ =	swait.ge [sflag:s2], $0x2000  }
0x4f: {  	p0 =	seq.s32 s8, $0x0;
	[sflag:s2] =	ssyncset.done $0x0  }
0x50: {  	s9 =	simm.s32 @!p0 $0x4;
	[sflag:s2] =	ssyncadd.s32 $0xFFFFE000  }
0x51: {  	_ =	swait.ge @!p0 [sflag:s9], $0x2000  }
0x52: {  	[sflag:s9] =	ssyncset.done @!p0 $0x0  }
0x53: {  	s11 =	simm.s32 $0x0;
	[sflag:s9] =	ssyncadd.s32 @!p0 $0xFFFFE000  }
0x54: {  	v0 =	vld [tilespmem:s11+$0x4200]  }
0x55: {  	v3 =	vld [tilespmem:s11+$0x4210]  }
0x56: {  	v2 =	vld [tilespmem:s11+$0x8210]  }
0x57: {  	v4 =	vld [tilespmem:s11+$0x4220]  }
0x58: {  	v6 =	vld [tilespmem:s11+$0x8220]  }
0x59: {  	v9 =	vld [tilespmem:s11+$0x4230]  }
0x5a: {  	v8 =	vld [tilespmem:s11+$0x8230]  }
0x5b: {  	v5 =	vld [tilespmem:s11+$0x4240]  }
0x5c: {  	s10 =	sshll.u32 s8, $0x7;
	s15 =	simm.s32 $0x200;
	v7 =	vld [tilespmem:s11+$0x8240]  }
0x5d: {  	s30 =	smov.u32 s14;
	s13 =	sadd.s32 s6, s10;
	s9 =	sshll.u32 s8, $0xB;
	v1 =	vld [tilespmem:s14+$0xFFFFFFF0]  }
.LBB2_3:
0x5e: {  	p1 =	sne.s32 s15, $0x7E00;
	v10 =	vld [tilespmem:s30+$0x0]  }
0x5f: {  	v11 =	vld [tilespmem:s11+$0x4250]  }
0x60: {  	v12 =	vld [tilespmem:s11+$0x8250]  }
0x61: {  	v13 =	vld [tilespmem:s11+$0x4260]  }
0x62: {  	v3 =	vmul.f32 v3, v1;
	v9 =	vmul.f32 v9, v1;
	v14 =	vld [tilespmem:s11+$0x8260]  }
0x63: {  	v4 =	vmul.f32 v4, v1;
	v6 =	vmul.f32 v6, v10;
	v15 =	vld [tilespmem:s11+$0x4270]  }
0x64: {  	v2 =	vmul.f32 v2, v10;
	v8 =	vmul.f32 v8, v10;
	v16 =	vld [tilespmem:s11+$0x8270]  }
0x65: {  	s24 =	sshra.s32 s15, $0x2;
	v5 =	vmul.f32 v5, v1;
	v17 =	vld [tilespmem:s11+$0x8200];
	v4 =	vadd.f32 v6, v4;
	v6 =	vmul.f32 v7, v10  }
0x66: {  	v18 =	vadd.f32 v2, v3;
	v8 =	vadd.f32 v8, v9;
	v9 =	vmul.f32 v11, v1;
	v7 =	vld [tilespmem:s24+$0x4200]  }
0x67: {  	v11 =	vmul.f32 v13, v1;
	v3 =	vld [tilespmem:s24+$0x4210];
	[tilespmem:s11+$0xC220] =	vst v4;
	v5 =	vadd.f32 v6, v5;
	v6 =	vmul.f32 v12, v10  }
0x68: {  	v12 =	vmul.f32 v14, v10;
	v2 =	vld [tilespmem:s24+$0x8210];
	[tilespmem:s11+$0xC210] =	vst v18;
	v13 =	vmul.f32 v15, v1  }
0x69: {  	v1 =	vmul.f32 v0, v1;
	v4 =	vld [tilespmem:s24+$0x4220];
	[tilespmem:s11+$0xC230] =	vst v8;
	v14 =	vadd.f32 v6, v9;
	v8 =	vmul.f32 v16, v10  }
0x6a: {  	v6 =	vld [tilespmem:s24+$0x8220];
	v10 =	vmul.f32 v17, v10;
	[tilespmem:s11+$0xC240] =	vst v5;
	v5 =	vadd.f32 v12, v11  }
.Ltmp2:
0x6b: {  	v9 =	vld [tilespmem:s24+$0x4230];
	[tilespmem:s11+$0xC250] =	vst v14;
	v11 =	vadd.f32 v8, v13;
	v0 =	vmov v7;
	(pc) =	sbr.rel @p1 .LBB2_3-.Ltmp2, $4  }
0x6c: {  	v8 =	vld [tilespmem:s24+$0x8230];
	v1 =	vadd.f32 v10, v1;
	[tilespmem:s11+$0xC260] =	vst v5  }
0x6d: {  	v5 =	vld [tilespmem:s24+$0x4240];
	[tilespmem:s11+$0xC270] =	vst v11  }
0x6e: {  	s30 =	sadd.s32 $0x20, s30;
	v7 =	vld [tilespmem:s24+$0x8240];
	[tilespmem:s11+$0xC200] =	vst v1;
	s11 =	smov.u32 s24  }
0x6f: {  	s15 =	sadd.s32 $0x200, s15;
	v1 =	vld [tilespmem:s30+$0xFFFFFFF0]  }
0x70: {  	v10 =	vld [tilespmem:s30+$0x0]  }
0x71: {  	v11 =	vld [tilespmem:s11+$0x4250]  }
0x72: {  	v12 =	vld [tilespmem:s11+$0x8250]  }
0x73: {  	v13 =	vld [tilespmem:s11+$0x4260]  }
0x74: {  	v14 =	vld [tilespmem:s11+$0x8260];
	v4 =	vmul.f32 v4, v1  }
0x75: {  	v15 =	vld [tilespmem:s11+$0x4270];
	v3 =	vmul.f32 v3, v1;
	v6 =	vmul.f32 v6, v10  }
0x76: {  	v17 =	vld [tilespmem:s11+$0x8200];
	v9 =	vmul.f32 v9, v1;
	v2 =	vmul.f32 v2, v10  }
0x77: {  	v16 =	vld [tilespmem:s11+$0x8270];
	v5 =	vmul.f32 v5, v1;
	v8 =	vmul.f32 v8, v10;
	v4 =	vadd.f32 v6, v4  }
0x78: {  	v0 =	vmul.f32 v0, v1;
	v6 =	vmul.f32 v7, v10;
	v2 =	vadd.f32 v2, v3  }
0x79: {  	v3 =	vadd.f32 v8, v9;
	v7 =	vmul.f32 v11, v1;
	[tilespmem:s11+$0xC220] =	vst v4;
	v4 =	vmul.f32 v12, v10  }
0x7a: {  	v5 =	vadd.f32 v6, v5;
	v6 =	vmul.f32 v13, v1;
	[tilespmem:s11+$0xC210] =	vst v2;
	v2 =	vmul.f32 v14, v10  }
0x7b: {  	v8 =	vmul.f32 v15, v1;
	[tilespmem:s11+$0xC230] =	vst v3;
	v1 =	vmul.f32 v17, v10;
	v3 =	vadd.f32 v4, v7  }
0x7c: {  	v4 =	vmul.f32 v16, v10;
	[tilespmem:s11+$0xC240] =	vst v5;
	v2 =	vadd.f32 v2, v6  }
0x7d: {  	v0 =	vadd.f32 v1, v0;
	[tilespmem:s11+$0xC250] =	vst v3  }
0x7e: {  	v3 =	vadd.f32 v4, v8;
	[tilespmem:s11+$0xC260] =	vst v2  }
0x7f: {  	s13 =	sshll.u32 s13, $0x4;
	p1 =	seq.s32 s8, $0x3;
	[tilespmem:s11+$0xC200] =	vst v0  }
0x80: {  	s30 =	sadd.s32 s4, s13;
	[tilespmem:s11+$0xC270] =	vst v3;
	s11 =	sadd.s32 @!p1 s9, s16  }
0x81: {  	[hbm4b:s30+s5] =	stream.linear.scatter [tilespmem:s19], [sflag:$0x4], $0x2000, $0x38;
	[tilespmem:$0x10200] =	vst v63  }
0x82: {  	s15 =	simm.s32 @!p1 $0x0;
	s24 =	simm.s32 @!p1 $0x4200;
	s13 =	sadd.s32 @!p1 s1, s11  }
0x83: {  	[tilespmem:s24], [sflag:$0x2] =	stream.linear.gather @!p1 [hbm4b:s13+s15], $0x2000, $0x38;
	[tilespmem:$0x10200] =	vst v63  }
0x84: {  	s11 =	sadd.s32 @!p1 s3, s11;
	s13 =	simm.s32 @!p1 $0x8200  }
0x85: {  	[tilespmem:s13], [sflag:$0x3] =	stream.linear.gather @!p1 [hbm4b:s11+s15], $0x2000, $0x38;
	[tilespmem:$0x10200] =	vst v63  }
0x86: {  	_ =	swait.ge [sflag:s0], $0x2000  }
0x87: {  	[sflag:s0] =	ssyncset.done $0x0  }
0x88: {  	[sflag:s0] =	ssyncadd.s32 $0xFFFFE000  }
0x89: {  	_ =	swait.ge [sflag:s2], $0x2000  }
0x8a: {  	[sflag:s2] =	ssyncset.done $0x0  }
0x8b: {  	s11 =	simm.s32 @!p0 $0x4;
	[sflag:s2] =	ssyncadd.s32 $0xFFFFE000  }
0x8c: {  	_ =	swait.ge @!p0 [sflag:s11], $0x2000  }
0x8d: {  	[sflag:s11] =	ssyncset.done @!p0 $0x0  }
0x8e: {  	[sflag:s11] =	ssyncadd.s32 @!p0 $0xFFFFE000;
	s11 =	simm.s32 $0x0  }
0x8f: {  	v0 =	vld [tilespmem:s11+$0x6200]  }
0x90: {  	v3 =	vld [tilespmem:s11+$0x6210]  }
0x91: {  	v2 =	vld [tilespmem:s11+$0xA210]  }
0x92: {  	v4 =	vld [tilespmem:s11+$0x6220]  }
0x93: {  	v6 =	vld [tilespmem:s11+$0xA220]  }
0x94: {  	v9 =	vld [tilespmem:s11+$0x6230]  }
0x95: {  	v8 =	vld [tilespmem:s11+$0xA230]  }
0x96: {  	v5 =	vld [tilespmem:s11+$0x6240]  }
0x97: {  	s10 =	sadd.s32 s10, s6;
	v7 =	vld [tilespmem:s11+$0xA240]  }
0x98: {  	s10 =	sadd.s32 $0x40, s10;
	s15 =	simm.s32 $0x200;
	s13 =	smov.u32 s31;
	v1 =	vld [tilespmem:s31+$0xFFFFFFF0]  }
.LBB2_5:
0x99: {  	p0 =	sne.s32 s15, $0x7E00;
	v10 =	vld [tilespmem:s13+$0x0]  }
0x9a: {  	v11 =	vld [tilespmem:s11+$0x6250]  }
0x9b: {  	v12 =	vld [tilespmem:s11+$0xA250]  }
0x9c: {  	v13 =	vld [tilespmem:s11+$0x6260]  }
0x9d: {  	v3 =	vmul.f32 v3, v1;
	v9 =	vmul.f32 v9, v1;
	v14 =	vld [tilespmem:s11+$0xA260]  }
0x9e: {  	v4 =	vmul.f32 v4, v1;
	v6 =	vmul.f32 v6, v10;
	v15 =	vld [tilespmem:s11+$0x6270]  }
0x9f: {  	v2 =	vmul.f32 v2, v10;
	v8 =	vmul.f32 v8, v10;
	v16 =	vld [tilespmem:s11+$0xA270]  }
0xa0: {  	s24 =	sshra.s32 s15, $0x2;
	v5 =	vmul.f32 v5, v1;
	v17 =	vld [tilespmem:s11+$0xA200];
	v4 =	vadd.f32 v6, v4;
	v6 =	vmul.f32 v7, v10  }
0xa1: {  	v18 =	vadd.f32 v2, v3;
	v8 =	vadd.f32 v8, v9;
	v9 =	vmul.f32 v11, v1;
	v7 =	vld [tilespmem:s24+$0x6200]  }
0xa2: {  	v11 =	vmul.f32 v13, v1;
	v3 =	vld [tilespmem:s24+$0x6210];
	[tilespmem:s11+$0xE220] =	vst v4;
	v5 =	vadd.f32 v6, v5;
	v6 =	vmul.f32 v12, v10  }
0xa3: {  	v12 =	vmul.f32 v14, v10;
	v2 =	vld [tilespmem:s24+$0xA210];
	[tilespmem:s11+$0xE210] =	vst v18;
	v13 =	vmul.f32 v15, v1  }
0xa4: {  	v1 =	vmul.f32 v0, v1;
	v4 =	vld [tilespmem:s24+$0x6220];
	[tilespmem:s11+$0xE230] =	vst v8;
	v14 =	vadd.f32 v6, v9;
	v8 =	vmul.f32 v16, v10  }
0xa5: {  	v6 =	vld [tilespmem:s24+$0xA220];
	v10 =	vmul.f32 v17, v10;
	[tilespmem:s11+$0xE240] =	vst v5;
	v5 =	vadd.f32 v12, v11  }
.Ltmp3:
0xa6: {  	v9 =	vld [tilespmem:s24+$0x6230];
	[tilespmem:s11+$0xE250] =	vst v14;
	v11 =	vadd.f32 v8, v13;
	v0 =	vmov v7;
	(pc) =	sbr.rel @p0 .LBB2_5-.Ltmp3, $4  }
0xa7: {  	v8 =	vld [tilespmem:s24+$0xA230];
	v1 =	vadd.f32 v10, v1;
	[tilespmem:s11+$0xE260] =	vst v5  }
0xa8: {  	v5 =	vld [tilespmem:s24+$0x6240];
	[tilespmem:s11+$0xE270] =	vst v11  }
0xa9: {  	s13 =	sadd.s32 $0x20, s13;
	v7 =	vld [tilespmem:s24+$0xA240];
	[tilespmem:s11+$0xE200] =	vst v1;
	s11 =	smov.u32 s24  }
0xaa: {  	s15 =	sadd.s32 $0x200, s15;
	v1 =	vld [tilespmem:s13+$0xFFFFFFF0]  }
0xab: {  	v10 =	vld [tilespmem:s13+$0x0]  }
0xac: {  	v11 =	vld [tilespmem:s11+$0x6250]  }
0xad: {  	v12 =	vld [tilespmem:s11+$0xA250]  }
0xae: {  	v13 =	vld [tilespmem:s11+$0x6260]  }
0xaf: {  	v15 =	vld [tilespmem:s11+$0x6270]  }
0xb0: {  	v16 =	vld [tilespmem:s11+$0xA270];
	v4 =	vmul.f32 v4, v1;
	v6 =	vmul.f32 v6, v10  }
0xb1: {  	v17 =	vld [tilespmem:s11+$0xA200];
	v3 =	vmul.f32 v3, v1;
	v2 =	vmul.f32 v2, v10  }
0xb2: {  	v14 =	vld [tilespmem:s11+$0xA260];
	v9 =	vmul.f32 v9, v1;
	v8 =	vmul.f32 v8, v10;
	v4 =	vadd.f32 v6, v4  }
0xb3: {  	v5 =	vmul.f32 v5, v1;
	v53 =	vmul.f32 v7, v10;
	v2 =	vadd.f32 v2, v3  }
0xb4: {  	v55 =	vmul.f32 v11, v1;
	v56 =	vmul.f32 v12, v10;
	v54 =	vadd.f32 v8, v9;
	[tilespmem:s11+$0xE220] =	vst v4  }
0xb5: {  	v59 =	vmul.f32 v15, v1;
	v61 =	vmul.f32 v16, v10;
	v5 =	vadd.f32 v53, v5;
	[tilespmem:s11+$0xE210] =	vst v2  }
0xb6: {  	v0 =	vmul.f32 v0, v1;
	v62 =	vmul.f32 v17, v10;
	v60 =	vadd.f32 v56, v55;
	[tilespmem:s11+$0xE230] =	vst v54  }
0xb7: {  	v57 =	vmul.f32 v13, v1;
	v58 =	vmul.f32 v14, v10;
	v63 =	vadd.f32 v61, v59;
	[tilespmem:s11+$0xE240] =	vst v5  }
.Ltmp4:
0xb8: {  	v0 =	vadd.f32 v62, v0;
	[tilespmem:s11+$0xE250] =	vst v60;
	(pc) =	sbr.rel @p1 .LBB2_8-.Ltmp4, $4  }
0xb9: {  	v2 =	vadd.f32 v58, v57;
	[tilespmem:s11+$0xE270] =	vst v63  }
0xba: {  	s10 =	sshll.u32 s10, $0x4;
	[tilespmem:s11+$0xE200] =	vst v0  }
0xbb: {  	s10 =	sadd.s32 s4, s10;
	[tilespmem:s11+$0xE260] =	vst v2  }
0xbc: {  	[hbm4b:s10+s5] =	stream.linear.scatter [tilespmem:s20], [sflag:$0x4], $0x2000, $0x38;
	[tilespmem:$0x10200] =	vst v63  }
.Ltmp5:
0xbd: {  	s9 =	sadd.s32 s9, s17;
	(pc) =	sbr.rel .LBB2_2-.Ltmp5, $4  }
0xbe: {  	s8 =	sadd.s32 $0x1, s8;
	s10 =	sadd.s32 s1, s9  }
0xbf: {  	[tilespmem:s21], [sflag:$0x2] =	stream.linear.gather [hbm4b:s10+s5], $0x2000, $0x38;
	[tilespmem:$0x10200] =	vst v63  }
0xc0: {  	s14 =	sadd.s32 $0x1000, s14;
	s31 =	sadd.s32 $0x1000, s31;
	s9 =	sadd.s32 s3, s9  }
0xc1: {  	[tilespmem:s22], [sflag:$0x3] =	stream.linear.gather [hbm4b:s9+s5], $0x2000, $0x38;
	[tilespmem:$0x10200] =	vst v63  }
.LBB2_9:
0xc2: {  	_ =	sfence.sel $0x180000  }
0xc3: {  	[bflag:$0x0] =	sbarrier.arrive $0xFFFF  }
0xc4: {  	_ =	strace $0x90000047  }
0xc5: {  	s0 =	stileid.u32;
	[bflag:$0x2] =	sbarrier.arrive $0xFFFF  }
0xc6: {  	p0 =	sne.s32 s0, $0x0;
	s0 =	rddreg [dreg:$0x5]  }
0xc7: {  	s0 =	sadd.s32 @!p0 $0x100000, s0  }
0xc8: {  	[sflag:s0] =	ssyncadd.tile.s32 @!p0 $0x1;
	_ =	shalt  }
.Lfunc_end2:
_tile_overlayer_lowered:
.L_overlay_start_2:
0xc9: {  	(tag) =	ssettag $0x2  }
0xca: {  	s0 =	rddreg [dreg:$0x0];
	s2 =	stileid.u32  }
0xcb: {  	s1 =	rddreg [dreg:$0x1];
	p0 =	sne.s32 s2, $0x0  }
0xcc: {  	s3 =	rddreg [dreg:$0x2];
	[bflag:$0x3] =	sbarrier.arrive $0xFFFF;
	s2 =	simm.s32 @!p0 $0x1C05  }
0xcd: {  	[timem:s3], [sflag:s2] =	dma.local @!p0 [hbm:s0], s1  }
0xce: {  	s0 =	simm.s32 @!p0 $0x5  }
0xcf: {  	_ =	swait.ge @!p0 [sflag:s0], s1  }
0xd0: {  	s1 =	ssub.s32 @!p0 $0x0, s1;
	[sflag:s0] =	ssyncset.done @!p0 $0x0  }
0xd1: {  	[sflag:s0] =	ssyncadd.s32 @!p0 s1  }
0xd2: {  	[bflag:$0x3] =	sbarrier.arrive $0xFFFF  }
0xd3: {  	_ =	shalt  }

</sc_bundles>
